<compile_context>
chip_gen: v7x
topology: tpu7x:2x2x1
jax: 0.10.2.dev20260603
libtpu: 0.0.44.dev20260713+nightly
codegen_flags: <defaults>
</compile_context>

<pallas_src>
import functools

import jax
import jax.numpy as jnp
from jax import lax
from jax.experimental import pallas as pl
from jax.experimental.pallas import tpu as pltpu
from jax.experimental.pallas import tpu_sc as plsc

VOCAB = 1000
VPAD = 1024
EMBED = 128
B = 1024
L = 50

NUM_CORES = 2
NUM_SUBCORES = 16
NW = NUM_CORES * NUM_SUBCORES
NVT = VOCAB // 8
VT_PER_W = 4
NCHUNK = B // 16


def _gram_body(w_ref, wp_ref, b_ref, g_ref):
    w = w_ref[...]
    wp = wp_ref[...]
    g = lax.dot_general(
        w, wp,
        dimension_numbers=(((1,), (1,)), ((), ())),
        preferred_element_type=jnp.float32,
    )
    g_ref[...] = g + b_ref[...]


def _gram(W, Wp, bcol):
    return pl.pallas_call(
        _gram_body,
        out_shape=jax.ShapeDtypeStruct((VOCAB, VPAD), jnp.float32),
    )(W, Wp, bcol)


_sc_mesh = plsc.VectorSubcoreMesh(
    core_axis_name="c", subcore_axis_name="s",
    num_cores=NUM_CORES, num_subcores=NUM_SUBCORES)


def _expand_body(tt_hbm, idst_hbm, out_hbm, ids_v, tt_v, ob0, ob1, sw0, sw1):
    wid = lax.axis_index("s") * NUM_CORES + lax.axis_index("c")
    pltpu.sync_copy(idst_hbm, ids_v)

    def compute(ob, l):
        @plsc.parallel_loop(0, NCHUNK, step=1, unroll=8)
        def cbody(ci):
            off = 16 * ci
            idx16 = ids_v[l, pl.ds(off, 16)]
            for v_ in range(8):
                x = plsc.load_gather(tt_v, [idx16 + (v_ * VPAD)])
                ob[v_, pl.ds(off, 16)] = x

    def w_pair(ob, sw, l, vt):
        return (ob, out_hbm.at[l, pl.ds(8 * vt, 8)], sw)

    def vt_body(vt):
        pltpu.sync_copy(tt_hbm.at[pl.ds(vt * (8 * VPAD), 8 * VPAD)], tt_v)
        compute(ob0, 0)
        src, dst, sw = w_pair(ob0, sw0, 0, vt)
        pltpu.async_copy(src, dst, sw)
        compute(ob1, 1)
        src, dst, sw = w_pair(ob1, sw1, 1, vt)
        pltpu.async_copy(src, dst, sw)

        def l_pair(jj, c2):
            l0 = 2 * jj
            src, dst, sw = w_pair(ob0, sw0, l0, vt)
            pltpu.make_async_copy(src, dst, sw).wait()
            compute(ob0, l0)
            pltpu.async_copy(src, dst, sw)
            l1 = 2 * jj + 1
            src, dst, sw = w_pair(ob1, sw1, l1, vt)
            pltpu.make_async_copy(src, dst, sw).wait()
            compute(ob1, l1)
            pltpu.async_copy(src, dst, sw)
            return c2
        lax.fori_loop(1, L // 2, l_pair, 0)

        src, dst, sw = w_pair(ob0, sw0, 0, vt)
        pltpu.make_async_copy(src, dst, sw).wait()
        src, dst, sw = w_pair(ob1, sw1, 0, vt)
        pltpu.make_async_copy(src, dst, sw).wait()

    def k_body(k, c2):
        vt = wid + NW * k

        @pl.when(vt < NVT)
        def _():
            vt_body(vt)
        return c2

    lax.fori_loop(0, VT_PER_W, k_body, 0)


_expand = functools.partial(
    pl.kernel,
    mesh=_sc_mesh,
    out_type=jax.ShapeDtypeStruct((L, VOCAB, B), jnp.float32),
    scratch_types=[
        pltpu.VMEM((L, B), jnp.int32),
        pltpu.VMEM((8 * VPAD,), jnp.float32),
        pltpu.VMEM((8, B), jnp.float32),
        pltpu.VMEM((8, B), jnp.float32),
        pltpu.SemaphoreType.DMA,
        pltpu.SemaphoreType.DMA,
    ],
    compiler_params=pltpu.CompilerParams(
        needs_layout_passes=False, disable_bounds_checks=True),
)(_expand_body)


def kernel(input_ids, W, b):
    ids_t = input_ids.T.astype(jnp.int32)
    Wp = jnp.zeros((VPAD, EMBED), jnp.float32).at[:VOCAB].set(W)
    tt = _gram(W, Wp, b.reshape(VOCAB, 1))
    tt1d = tt.reshape(VOCAB * VPAD)
    out_t = _expand(tt1d, ids_t)
    return jnp.transpose(out_t, (2, 0, 1))

# --- scband reference (transcript-rebuilt; emitter-appended) ---
"""Pipeline reference for scband-linear-model-8392366096520 (READ-ONLY COPY).

The authoritative reference and input builder live on the scoring server;
editing this copy changes nothing except your own understanding.
"""

import jax, jax.numpy as jnp
import numpy as np

VOCAB = 1000
EMBED = 128
B = 1024
L = 50


def setup_inputs(seed: int = 0) -> dict:
    key = jax.random.key(seed)
    k1, k2 = jax.random.split(key, 2)
    input_ids = jax.random.randint(k1, (B, L), 0, VOCAB)
    # Tied weight: encoder embedding table == decoder weight [vocab, embed]
    W = jax.random.normal(k2, (VOCAB, EMBED), dtype=jnp.float32) * 0.02
    b = jnp.zeros((VOCAB,), dtype=jnp.float32)
    return {"input_ids": input_ids, "W": W, "b": b}


def reference(input_ids, W, b):
    # encoder: embedding lookup (gather)
    inputs_embeds = jnp.take(W, input_ids, axis=0)  # [B, L, EMBED]
    # decoder: tied linear projection back to vocab
    logits = jnp.einsum('ble,ve->blv', inputs_embeds, W) + b  # [B, L, VOCAB]
    return logits

if __name__ == "__main__":
    import jax
    _d = setup_inputs()
    print(jax.jit(kernel)(*tuple(_d.values())))

</pallas_src>

<mosaic_0001>
#map = affine_map<(d0, d1) -> (0)>
#map1 = affine_map<(d0, d1) -> (0, 0)>
#map2 = affine_map<(d0, d1) -> (0, 0, 0)>
module attributes {stable_mosaic.version = 14 : i64} {
  func.func @_expand_body(%arg0: i32, %arg1: i32, %arg2: memref<1024000xf32, #tpu.memory_space<hbm>>, %arg3: memref<50x1024xi32, #tpu.memory_space<hbm>>, %arg4: memref<50x1000x1024xf32, #tpu.memory_space<hbm>>, %arg5: memref<50x1024xi32, #tpu.memory_space<vmem>>, %arg6: memref<8192xf32, #tpu.memory_space<vmem>>, %arg7: memref<8x1024xf32, #tpu.memory_space<vmem>>, %arg8: memref<8x1024xf32, #tpu.memory_space<vmem>>, %arg9: memref<!tpu.dma_semaphore, #tpu.memory_space<semaphore_mem>>, %arg10: memref<!tpu.dma_semaphore, #tpu.memory_space<semaphore_mem>>) attributes {dimension_semantics = [#tpu.dimension_semantics<core_parallel>, #tpu.dimension_semantics<subcore_parallel>], iteration_bounds = array<i64: 2, 16>, scalar_prefetch = 0 : i64, scratch_operands = 6 : i64, tpu.core_type = #tpu.core_type<sc_vector_subcore>, window_params = [{transform_indices = #map}, {transform_indices = #map1}, {transform_indices = #map2}]} {
    %mul3A = arith.constant 2 : i32
    %mul3A_0 = arith.muli %arg1, %mul3A : i32
    %add3A = arith.addi %mul3A_0, %arg0 : i32
    "tpu.region"() ({
      %run_scoped3A = tpu.sem_alloc : memref<!tpu.dma_semaphore, #tpu.memory_space<semaphore_mem>>
      tpu.enqueue_dma source(%arg3 : memref<50x1024xi32, #tpu.memory_space<hbm>>) target(%arg5 : memref<50x1024xi32, #tpu.memory_space<vmem>>) target_semaphore(%run_scoped3A : memref<!tpu.dma_semaphore, #tpu.memory_space<semaphore_mem>>)
      tpu.wait_dma2 semaphore(%run_scoped3A : memref<!tpu.dma_semaphore, #tpu.memory_space<semaphore_mem>>) src(%arg3 : memref<50x1024xi32, #tpu.memory_space<hbm>>) dst(%arg5 : memref<50x1024xi32, #tpu.memory_space<vmem>>)
      tpu.yield
    }) : () -> ()
    %scan3A = arith.constant 0 : i32
    %scan3A_1 = arith.constant 0 : i32
    %scan3A_2 = arith.constant 4 : i32
    %scan3A_3 = arith.addi %scan3A_1, %scan3A_2 : i32
    %scan3A_4 = arith.constant 1 : i32
    scf.for %scan3A_6 = %scan3A_1 to %scan3A_3 step %scan3A_4  : i32 {
      %mul3A_7 = arith.constant 32 : i32
      %mul3A_8 = arith.muli %mul3A_7, %scan3A_6 : i32
      %add3A_9 = arith.addi %add3A, %mul3A_8 : i32
      %lt3A = arith.constant 125 : i32
      %lt3A_10 = arith.cmpi slt, %add3A_9, %lt3A : i32
      %convert_element_type3A = arith.extui %lt3A_10 : i1 to i32
      %cond3A = arith.constant 0 : i32
      %cond3A_11 = arith.cmpi ne, %convert_element_type3A, %cond3A : i32
      scf.if %cond3A_11 {
        %mul3A_12 = arith.constant 8192 : i32
        %mul3A_13 = arith.muli %add3A_9, %mul3A_12 : i32
        "tpu.region"() ({
          %run_scoped3A = tpu.sem_alloc : memref<!tpu.dma_semaphore, #tpu.memory_space<semaphore_mem>>
          %dma_start3A_59 = tpu.memref_slice %arg2[%mul3A_13] : memref<1024000xf32, #tpu.memory_space<hbm>> -> memref<8192xf32, #tpu.memory_space<hbm>>
          %dma_start3A_60 = tpu.memref_slice %arg2[%mul3A_13] : memref<1024000xf32, #tpu.memory_space<hbm>> -> memref<8192xf32, #tpu.memory_space<hbm>>
          tpu.enqueue_dma source(%dma_start3A_60 : memref<8192xf32, #tpu.memory_space<hbm>>) target(%arg6 : memref<8192xf32, #tpu.memory_space<vmem>>) target_semaphore(%run_scoped3A : memref<!tpu.dma_semaphore, #tpu.memory_space<semaphore_mem>>)
          %dma_wait3A_61 = tpu.memref_slice %arg2[%mul3A_13] : memref<1024000xf32, #tpu.memory_space<hbm>> -> memref<8192xf32, #tpu.memory_space<hbm>>
          %dma_wait3A_62 = tpu.memref_slice %arg2[%mul3A_13] : memref<1024000xf32, #tpu.memory_space<hbm>> -> memref<8192xf32, #tpu.memory_space<hbm>>
          tpu.wait_dma2 semaphore(%run_scoped3A : memref<!tpu.dma_semaphore, #tpu.memory_space<semaphore_mem>>) src(%dma_wait3A_62 : memref<8192xf32, #tpu.memory_space<hbm>>) dst(%arg6 : memref<8192xf32, #tpu.memory_space<vmem>>)
          tpu.yield
        }) : () -> ()
        %parallel_loop3A = arith.constant 0 : i32
        %parallel_loop3A_14 = arith.constant 64 : i32
        %parallel_loop3A_15 = arith.constant 1 : i32
        scf.for %parallel_loop3A_59 = %parallel_loop3A to %parallel_loop3A_14 step %parallel_loop3A_15  : i32 {
          %parallel_loop3A_60 = arith.constant 16 : i32
          %parallel_loop3A_61 = arith.muli %parallel_loop3A_60, %parallel_loop3A_59 : i32
          %parallel_loop3A_62 = arith.constant 0 : i32
          %parallel_loop3A_63 = arith.index_cast %parallel_loop3A_62 : i32 to index
          %parallel_loop3A_64 = arith.index_cast %parallel_loop3A_61 : i32 to index
          %parallel_loop3A_65 = tpu.vector_load %arg5[%parallel_loop3A_63, %parallel_loop3A_64] {strides = array<i32>} : memref<50x1024xi32, #tpu.memory_space<vmem>>, vector<16xi32>,
          %parallel_loop3A_66 = arith.constant 0 : i32
          %parallel_loop3A_67 = vector.broadcast %parallel_loop3A_66 : i32 to vector<16xi32>
          %parallel_loop3A_68 = arith.addi %parallel_loop3A_65, %parallel_loop3A_67 : vector<16xi32>
          %parallel_loop3A_69 = tpu.vector_load_idx %arg6[%parallel_loop3A_68] : memref<8192xf32, #tpu.memory_space<vmem>>[vector<16xi32>], vector<16xf32>,
          %parallel_loop3A_70 = arith.constant 0 : i32
          %parallel_loop3A_71 = arith.index_cast %parallel_loop3A_70 : i32 to index
          %parallel_loop3A_72 = arith.index_cast %parallel_loop3A_61 : i32 to index
          %parallel_loop3A_73 = tpu.vector_load %arg7[%parallel_loop3A_71, %parallel_loop3A_72] {strides = array<i32>} : memref<8x1024xf32, #tpu.memory_space<vmem>>, vector<16xf32>,
          tpu.vector_store %arg7[%parallel_loop3A_71, %parallel_loop3A_72], %parallel_loop3A_69 {strides = array<i32>} : memref<8x1024xf32, #tpu.memory_space<vmem>>, vector<16xf32>,
          %parallel_loop3A_74 = arith.constant 1024 : i32
          %parallel_loop3A_75 = vector.broadcast %parallel_loop3A_74 : i32 to vector<16xi32>
          %parallel_loop3A_76 = arith.addi %parallel_loop3A_65, %parallel_loop3A_75 : vector<16xi32>
          %parallel_loop3A_77 = tpu.vector_load_idx %arg6[%parallel_loop3A_76] : memref<8192xf32, #tpu.memory_space<vmem>>[vector<16xi32>], vector<16xf32>,
          %parallel_loop3A_78 = arith.constant 1 : i32
          %parallel_loop3A_79 = arith.index_cast %parallel_loop3A_78 : i32 to index
          %parallel_loop3A_80 = arith.index_cast %parallel_loop3A_61 : i32 to index
          %parallel_loop3A_81 = tpu.vector_load %arg7[%parallel_loop3A_79, %parallel_loop3A_80] {strides = array<i32>} : memref<8x1024xf32, #tpu.memory_space<vmem>>, vector<16xf32>,
          tpu.vector_store %arg7[%parallel_loop3A_79, %parallel_loop3A_80], %parallel_loop3A_77 {strides = array<i32>} : memref<8x1024xf32, #tpu.memory_space<vmem>>, vector<16xf32>,
          %parallel_loop3A_82 = arith.constant 2048 : i32
          %parallel_loop3A_83 = vector.broadcast %parallel_loop3A_82 : i32 to vector<16xi32>
          %parallel_loop3A_84 = arith.addi %parallel_loop3A_65, %parallel_loop3A_83 : vector<16xi32>
          %parallel_loop3A_85 = tpu.vector_load_idx %arg6[%parallel_loop3A_84] : memref<8192xf32, #tpu.memory_space<vmem>>[vector<16xi32>], vector<16xf32>,
          %parallel_loop3A_86 = arith.constant 2 : i32
          %parallel_loop3A_87 = arith.index_cast %parallel_loop3A_86 : i32 to index
          %parallel_loop3A_88 = arith.index_cast %parallel_loop3A_61 : i32 to index
          %parallel_loop3A_89 = tpu.vector_load %arg7[%parallel_loop3A_87, %parallel_loop3A_88] {strides = array<i32>} : memref<8x1024xf32, #tpu.memory_space<vmem>>, vector<16xf32>,
          tpu.vector_store %arg7[%parallel_loop3A_87, %parallel_loop3A_88], %parallel_loop3A_85 {strides = array<i32>} : memref<8x1024xf32, #tpu.memory_space<vmem>>, vector<16xf32>,
          %parallel_loop3A_90 = arith.constant 3072 : i32
          %parallel_loop3A_91 = vector.broadcast %parallel_loop3A_90 : i32 to vector<16xi32>
          %parallel_loop3A_92 = arith.addi %parallel_loop3A_65, %parallel_loop3A_91 : vector<16xi32>
          %parallel_loop3A_93 = tpu.vector_load_idx %arg6[%parallel_loop3A_92] : memref<8192xf32, #tpu.memory_space<vmem>>[vector<16xi32>], vector<16xf32>,
          %parallel_loop3A_94 = arith.constant 3 : i32
          %parallel_loop3A_95 = arith.index_cast %parallel_loop3A_94 : i32 to index
          %parallel_loop3A_96 = arith.index_cast %parallel_loop3A_61 : i32 to index
          %parallel_loop3A_97 = tpu.vector_load %arg7[%parallel_loop3A_95, %parallel_loop3A_96] {strides = array<i32>} : memref<8x1024xf32, #tpu.memory_space<vmem>>, vector<16xf32>,
          tpu.vector_store %arg7[%parallel_loop3A_95, %parallel_loop3A_96], %parallel_loop3A_93 {strides = array<i32>} : memref<8x1024xf32, #tpu.memory_space<vmem>>, vector<16xf32>,
          %parallel_loop3A_98 = arith.constant 4096 : i32
          %parallel_loop3A_99 = vector.broadcast %parallel_loop3A_98 : i32 to vector<16xi32>
          %parallel_loop3A_100 = arith.addi %parallel_loop3A_65, %parallel_loop3A_99 : vector<16xi32>
          %parallel_loop3A_101 = tpu.vector_load_idx %arg6[%parallel_loop3A_100] : memref<8192xf32, #tpu.memory_space<vmem>>[vector<16xi32>], vector<16xf32>,
          %parallel_loop3A_102 = arith.constant 4 : i32
          %parallel_loop3A_103 = arith.index_cast %parallel_loop3A_102 : i32 to index
          %parallel_loop3A_104 = arith.index_cast %parallel_loop3A_61 : i32 to index
          %parallel_loop3A_105 = tpu.vector_load %arg7[%parallel_loop3A_103, %parallel_loop3A_104] {strides = array<i32>} : memref<8x1024xf32, #tpu.memory_space<vmem>>, vector<16xf32>,
          tpu.vector_store %arg7[%parallel_loop3A_103, %parallel_loop3A_104], %parallel_loop3A_101 {strides = array<i32>} : memref<8x1024xf32, #tpu.memory_space<vmem>>, vector<16xf32>,
          %parallel_loop3A_106 = arith.constant 5120 : i32
          %parallel_loop3A_107 = vector.broadcast %parallel_loop3A_106 : i32 to vector<16xi32>
          %parallel_loop3A_108 = arith.addi %parallel_loop3A_65, %parallel_loop3A_107 : vector<16xi32>
          %parallel_loop3A_109 = tpu.vector_load_idx %arg6[%parallel_loop3A_108] : memref<8192xf32, #tpu.memory_space<vmem>>[vector<16xi32>], vector<16xf32>,
          %parallel_loop3A_110 = arith.constant 5 : i32
          %parallel_loop3A_111 = arith.index_cast %parallel_loop3A_110 : i32 to index
          %parallel_loop3A_112 = arith.index_cast %parallel_loop3A_61 : i32 to index
          %parallel_loop3A_113 = tpu.vector_load %arg7[%parallel_loop3A_111, %parallel_loop3A_112] {strides = array<i32>} : memref<8x1024xf32, #tpu.memory_space<vmem>>, vector<16xf32>,
          tpu.vector_store %arg7[%parallel_loop3A_111, %parallel_loop3A_112], %parallel_loop3A_109 {strides = array<i32>} : memref<8x1024xf32, #tpu.memory_space<vmem>>, vector<16xf32>,
          %parallel_loop3A_114 = arith.constant 6144 : i32
          %parallel_loop3A_115 = vector.broadcast %parallel_loop3A_114 : i32 to vector<16xi32>
          %parallel_loop3A_116 = arith.addi %parallel_loop3A_65, %parallel_loop3A_115 : vector<16xi32>
          %parallel_loop3A_117 = tpu.vector_load_idx %arg6[%parallel_loop3A_116] : memref<8192xf32, #tpu.memory_space<vmem>>[vector<16xi32>], vector<16xf32>,
          %parallel_loop3A_118 = arith.constant 6 : i32
          %parallel_loop3A_119 = arith.index_cast %parallel_loop3A_118 : i32 to index
          %parallel_loop3A_120 = arith.index_cast %parallel_loop3A_61 : i32 to index
          %parallel_loop3A_121 = tpu.vector_load %arg7[%parallel_loop3A_119, %parallel_loop3A_120] {strides = array<i32>} : memref<8x1024xf32, #tpu.memory_space<vmem>>, vector<16xf32>,
          tpu.vector_store %arg7[%parallel_loop3A_119, %parallel_loop3A_120], %parallel_loop3A_117 {strides = array<i32>} : memref<8x1024xf32, #tpu.memory_space<vmem>>, vector<16xf32>,
          %parallel_loop3A_122 = arith.constant 7168 : i32
          %parallel_loop3A_123 = vector.broadcast %parallel_loop3A_122 : i32 to vector<16xi32>
          %parallel_loop3A_124 = arith.addi %parallel_loop3A_65, %parallel_loop3A_123 : vector<16xi32>
          %parallel_loop3A_125 = tpu.vector_load_idx %arg6[%parallel_loop3A_124] : memref<8192xf32, #tpu.memory_space<vmem>>[vector<16xi32>], vector<16xf32>,
          %parallel_loop3A_126 = arith.constant 7 : i32
          %parallel_loop3A_127 = arith.index_cast %parallel_loop3A_126 : i32 to index
          %parallel_loop3A_128 = arith.index_cast %parallel_loop3A_61 : i32 to index
          %parallel_loop3A_129 = tpu.vector_load %arg7[%parallel_loop3A_127, %parallel_loop3A_128] {strides = array<i32>} : memref<8x1024xf32, #tpu.memory_space<vmem>>, vector<16xf32>,
          tpu.vector_store %arg7[%parallel_loop3A_127, %parallel_loop3A_128], %parallel_loop3A_125 {strides = array<i32>} : memref<8x1024xf32, #tpu.memory_space<vmem>>, vector<16xf32>,
        } {sc.loop_unroll_factor = 8 : i64, sc.parallel_access}
        %mul3A_16 = arith.constant 8 : i32
        %mul3A_17 = arith.muli %mul3A_16, %add3A_9 : i32
        %dma_start3A = arith.constant 0 : i32
        %dma_start3A_18 = arith.constant 0 : i32
        %dma_start3A_19 = tpu.memref_slice %arg4[%dma_start3A, %mul3A_17, %dma_start3A_18] : memref<50x1000x1024xf32, #tpu.memory_space<hbm>> -> memref<1x8x1024xf32, #tpu.memory_space<hbm>>
        %dma_start3A_20 = tpu.memref_squeeze %dma_start3A_19 : memref<1x8x1024xf32, #tpu.memory_space<hbm>> -> memref<8x1024xf32, #tpu.memory_space<hbm>>
        %dma_start3A_21 = arith.constant 0 : i32
        %dma_start3A_22 = tpu.memref_slice %arg4[%dma_start3A, %mul3A_17, %dma_start3A_21] : memref<50x1000x1024xf32, #tpu.memory_space<hbm>> -> memref<1x8x1024xf32, #tpu.memory_space<hbm>>
        %dma_start3A_23 = tpu.memref_squeeze %dma_start3A_22 : memref<1x8x1024xf32, #tpu.memory_space<hbm>> -> memref<8x1024xf32, #tpu.memory_space<hbm>>
        tpu.enqueue_dma source(%arg7 : memref<8x1024xf32, #tpu.memory_space<vmem>>) target(%dma_start3A_23 : memref<8x1024xf32, #tpu.memory_space<hbm>>) target_semaphore(%arg9 : memref<!tpu.dma_semaphore, #tpu.memory_space<semaphore_mem>>)
        %parallel_loop3A_24 = arith.constant 0 : i32
        %parallel_loop3A_25 = arith.constant 64 : i32
        %parallel_loop3A_26 = arith.constant 1 : i32
        scf.for %parallel_loop3A_59 = %parallel_loop3A_24 to %parallel_loop3A_25 step %parallel_loop3A_26  : i32 {
          %parallel_loop3A_60 = arith.constant 16 : i32
          %parallel_loop3A_61 = arith.muli %parallel_loop3A_60, %parallel_loop3A_59 : i32
          %parallel_loop3A_62 = arith.constant 1 : i32
          %parallel_loop3A_63 = arith.index_cast %parallel_loop3A_62 : i32 to index
          %parallel_loop3A_64 = arith.index_cast %parallel_loop3A_61 : i32 to index
          %parallel_loop3A_65 = tpu.vector_load %arg5[%parallel_loop3A_63, %parallel_loop3A_64] {strides = array<i32>} : memref<50x1024xi32, #tpu.memory_space<vmem>>, vector<16xi32>,
          %parallel_loop3A_66 = arith.constant 0 : i32
          %parallel_loop3A_67 = vector.broadcast %parallel_loop3A_66 : i32 to vector<16xi32>
          %parallel_loop3A_68 = arith.addi %parallel_loop3A_65, %parallel_loop3A_67 : vector<16xi32>
          %parallel_loop3A_69 = tpu.vector_load_idx %arg6[%parallel_loop3A_68] : memref<8192xf32, #tpu.memory_space<vmem>>[vector<16xi32>], vector<16xf32>,
          %parallel_loop3A_70 = arith.constant 0 : i32
          %parallel_loop3A_71 = arith.index_cast %parallel_loop3A_70 : i32 to index
          %parallel_loop3A_72 = arith.index_cast %parallel_loop3A_61 : i32 to index
          %parallel_loop3A_73 = tpu.vector_load %arg8[%parallel_loop3A_71, %parallel_loop3A_72] {strides = array<i32>} : memref<8x1024xf32, #tpu.memory_space<vmem>>, vector<16xf32>,
          tpu.vector_store %arg8[%parallel_loop3A_71, %parallel_loop3A_72], %parallel_loop3A_69 {strides = array<i32>} : memref<8x1024xf32, #tpu.memory_space<vmem>>, vector<16xf32>,
          %parallel_loop3A_74 = arith.constant 1024 : i32
          %parallel_loop3A_75 = vector.broadcast %parallel_loop3A_74 : i32 to vector<16xi32>
          %parallel_loop3A_76 = arith.addi %parallel_loop3A_65, %parallel_loop3A_75 : vector<16xi32>
          %parallel_loop3A_77 = tpu.vector_load_idx %arg6[%parallel_loop3A_76] : memref<8192xf32, #tpu.memory_space<vmem>>[vector<16xi32>], vector<16xf32>,
          %parallel_loop3A_78 = arith.constant 1 : i32
          %parallel_loop3A_79 = arith.index_cast %parallel_loop3A_78 : i32 to index
          %parallel_loop3A_80 = arith.index_cast %parallel_loop3A_61 : i32 to index
          %parallel_loop3A_81 = tpu.vector_load %arg8[%parallel_loop3A_79, %parallel_loop3A_80] {strides = array<i32>} : memref<8x1024xf32, #tpu.memory_space<vmem>>, vector<16xf32>,
          tpu.vector_store %arg8[%parallel_loop3A_79, %parallel_loop3A_80], %parallel_loop3A_77 {strides = array<i32>} : memref<8x1024xf32, #tpu.memory_space<vmem>>, vector<16xf32>,
          %parallel_loop3A_82 = arith.constant 2048 : i32
          %parallel_loop3A_83 = vector.broadcast %parallel_loop3A_82 : i32 to vector<16xi32>
          %parallel_loop3A_84 = arith.addi %parallel_loop3A_65, %parallel_loop3A_83 : vector<16xi32>
          %parallel_loop3A_85 = tpu.vector_load_idx %arg6[%parallel_loop3A_84] : memref<8192xf32, #tpu.memory_space<vmem>>[vector<16xi32>], vector<16xf32>,
          %parallel_loop3A_86 = arith.constant 2 : i32
          %parallel_loop3A_87 = arith.index_cast %parallel_loop3A_86 : i32 to index
          %parallel_loop3A_88 = arith.index_cast %parallel_loop3A_61 : i32 to index
          %parallel_loop3A_89 = tpu.vector_load %arg8[%parallel_loop3A_87, %parallel_loop3A_88] {strides = array<i32>} : memref<8x1024xf32, #tpu.memory_space<vmem>>, vector<16xf32>,
          tpu.vector_store %arg8[%parallel_loop3A_87, %parallel_loop3A_88], %parallel_loop3A_85 {strides = array<i32>} : memref<8x1024xf32, #tpu.memory_space<vmem>>, vector<16xf32>,
          %parallel_loop3A_90 = arith.constant 3072 : i32
          %parallel_loop3A_91 = vector.broadcast %parallel_loop3A_90 : i32 to vector<16xi32>
          %parallel_loop3A_92 = arith.addi %parallel_loop3A_65, %parallel_loop3A_91 : vector<16xi32>
          %parallel_loop3A_93 = tpu.vector_load_idx %arg6[%parallel_loop3A_92] : memref<8192xf32, #tpu.memory_space<vmem>>[vector<16xi32>], vector<16xf32>,
          %parallel_loop3A_94 = arith.constant 3 : i32
          %parallel_loop3A_95 = arith.index_cast %parallel_loop3A_94 : i32 to index
          %parallel_loop3A_96 = arith.index_cast %parallel_loop3A_61 : i32 to index
          %parallel_loop3A_97 = tpu.vector_load %arg8[%parallel_loop3A_95, %parallel_loop3A_96] {strides = array<i32>} : memref<8x1024xf32, #tpu.memory_space<vmem>>, vector<16xf32>,
          tpu.vector_store %arg8[%parallel_loop3A_95, %parallel_loop3A_96], %parallel_loop3A_93 {strides = array<i32>} : memref<8x1024xf32, #tpu.memory_space<vmem>>, vector<16xf32>,
          %parallel_loop3A_98 = arith.constant 4096 : i32
          %parallel_loop3A_99 = vector.broadcast %parallel_loop3A_98 : i32 to vector<16xi32>
          %parallel_loop3A_100 = arith.addi %parallel_loop3A_65, %parallel_loop3A_99 : vector<16xi32>
          %parallel_loop3A_101 = tpu.vector_load_idx %arg6[%parallel_loop3A_100] : memref<8192xf32, #tpu.memory_space<vmem>>[vector<16xi32>], vector<16xf32>,
          %parallel_loop3A_102 = arith.constant 4 : i32
          %parallel_loop3A_103 = arith.index_cast %parallel_loop3A_102 : i32 to index
          %parallel_loop3A_104 = arith.index_cast %parallel_loop3A_61 : i32 to index
          %parallel_loop3A_105 = tpu.vector_load %arg8[%parallel_loop3A_103, %parallel_loop3A_104] {strides = array<i32>} : memref<8x1024xf32, #tpu.memory_space<vmem>>, vector<16xf32>,
          tpu.vector_store %arg8[%parallel_loop3A_103, %parallel_loop3A_104], %parallel_loop3A_101 {strides = array<i32>} : memref<8x1024xf32, #tpu.memory_space<vmem>>, vector<16xf32>,
          %parallel_loop3A_106 = arith.constant 5120 : i32
          %parallel_loop3A_107 = vector.broadcast %parallel_loop3A_106 : i32 to vector<16xi32>
          %parallel_loop3A_108 = arith.addi %parallel_loop3A_65, %parallel_loop3A_107 : vector<16xi32>
          %parallel_loop3A_109 = tpu.vector_load_idx %arg6[%parallel_loop3A_108] : memref<8192xf32, #tpu.memory_space<vmem>>[vector<16xi32>], vector<16xf32>,
          %parallel_loop3A_110 = arith.constant 5 : i32
          %parallel_loop3A_111 = arith.index_cast %parallel_loop3A_110 : i32 to index
          %parallel_loop3A_112 = arith.index_cast %parallel_loop3A_61 : i32 to index
          %parallel_loop3A_113 = tpu.vector_load %arg8[%parallel_loop3A_111, %parallel_loop3A_112] {strides = array<i32>} : memref<8x1024xf32, #tpu.memory_space<vmem>>, vector<16xf32>,
          tpu.vector_store %arg8[%parallel_loop3A_111, %parallel_loop3A_112], %parallel_loop3A_109 {strides = array<i32>} : memref<8x1024xf32, #tpu.memory_space<vmem>>, vector<16xf32>,
          %parallel_loop3A_114 = arith.constant 6144 : i32
          %parallel_loop3A_115 = vector.broadcast %parallel_loop3A_114 : i32 to vector<16xi32>
          %parallel_loop3A_116 = arith.addi %parallel_loop3A_65, %parallel_loop3A_115 : vector<16xi32>
          %parallel_loop3A_117 = tpu.vector_load_idx %arg6[%parallel_loop3A_116] : memref<8192xf32, #tpu.memory_space<vmem>>[vector<16xi32>], vector<16xf32>,
          %parallel_loop3A_118 = arith.constant 6 : i32
          %parallel_loop3A_119 = arith.index_cast %parallel_loop3A_118 : i32 to index
          %parallel_loop3A_120 = arith.index_cast %parallel_loop3A_61 : i32 to index
          %parallel_loop3A_121 = tpu.vector_load %arg8[%parallel_loop3A_119, %parallel_loop3A_120] {strides = array<i32>} : memref<8x1024xf32, #tpu.memory_space<vmem>>, vector<16xf32>,
          tpu.vector_store %arg8[%parallel_loop3A_119, %parallel_loop3A_120], %parallel_loop3A_117 {strides = array<i32>} : memref<8x1024xf32, #tpu.memory_space<vmem>>, vector<16xf32>,
          %parallel_loop3A_122 = arith.constant 7168 : i32
          %parallel_loop3A_123 = vector.broadcast %parallel_loop3A_122 : i32 to vector<16xi32>
          %parallel_loop3A_124 = arith.addi %parallel_loop3A_65, %parallel_loop3A_123 : vector<16xi32>
          %parallel_loop3A_125 = tpu.vector_load_idx %arg6[%parallel_loop3A_124] : memref<8192xf32, #tpu.memory_space<vmem>>[vector<16xi32>], vector<16xf32>,
          %parallel_loop3A_126 = arith.constant 7 : i32
          %parallel_loop3A_127 = arith.index_cast %parallel_loop3A_126 : i32 to index
          %parallel_loop3A_128 = arith.index_cast %parallel_loop3A_61 : i32 to index
          %parallel_loop3A_129 = tpu.vector_load %arg8[%parallel_loop3A_127, %parallel_loop3A_128] {strides = array<i32>} : memref<8x1024xf32, #tpu.memory_space<vmem>>, vector<16xf32>,
          tpu.vector_store %arg8[%parallel_loop3A_127, %parallel_loop3A_128], %parallel_loop3A_125 {strides = array<i32>} : memref<8x1024xf32, #tpu.memory_space<vmem>>, vector<16xf32>,
        } {sc.loop_unroll_factor = 8 : i64, sc.parallel_access}
        %mul3A_27 = arith.constant 8 : i32
        %mul3A_28 = arith.muli %mul3A_27, %add3A_9 : i32
        %dma_start3A_29 = arith.constant 1 : i32
        %dma_start3A_30 = arith.constant 0 : i32
        %dma_start3A_31 = tpu.memref_slice %arg4[%dma_start3A_29, %mul3A_28, %dma_start3A_30] : memref<50x1000x1024xf32, #tpu.memory_space<hbm>> -> memref<1x8x1024xf32, #tpu.memory_space<hbm>>
        %dma_start3A_32 = tpu.memref_squeeze %dma_start3A_31 : memref<1x8x1024xf32, #tpu.memory_space<hbm>> -> memref<8x1024xf32, #tpu.memory_space<hbm>>
        %dma_start3A_33 = arith.constant 0 : i32
        %dma_start3A_34 = tpu.memref_slice %arg4[%dma_start3A_29, %mul3A_28, %dma_start3A_33] : memref<50x1000x1024xf32, #tpu.memory_space<hbm>> -> memref<1x8x1024xf32, #tpu.memory_space<hbm>>
        %dma_start3A_35 = tpu.memref_squeeze %dma_start3A_34 : memref<1x8x1024xf32, #tpu.memory_space<hbm>> -> memref<8x1024xf32, #tpu.memory_space<hbm>>
        tpu.enqueue_dma source(%arg8 : memref<8x1024xf32, #tpu.memory_space<vmem>>) target(%dma_start3A_35 : memref<8x1024xf32, #tpu.memory_space<hbm>>) target_semaphore(%arg10 : memref<!tpu.dma_semaphore, #tpu.memory_space<semaphore_mem>>)
        %scan3A_36 = arith.constant 0 : i32
        %scan3A_37 = arith.constant 1 : i32
        %scan3A_38 = arith.constant 24 : i32
        %scan3A_39 = arith.addi %scan3A_37, %scan3A_38 : i32
        %scan3A_40 = arith.constant 1 : i32
        scf.for %scan3A_59 = %scan3A_37 to %scan3A_39 step %scan3A_40  : i32 {
          %mul3A_60 = arith.constant 2 : i32
          %mul3A_61 = arith.muli %mul3A_60, %scan3A_59 : i32
          %mul3A_62 = arith.constant 8 : i32
          %mul3A_63 = arith.muli %mul3A_62, %add3A_9 : i32
          %dma_wait3A_64 = arith.constant 0 : i32
          %dma_wait3A_65 = tpu.memref_slice %arg4[%mul3A_61, %mul3A_63, %dma_wait3A_64] : memref<50x1000x1024xf32, #tpu.memory_space<hbm>> -> memref<1x8x1024xf32, #tpu.memory_space<hbm>>
          %dma_wait3A_66 = tpu.memref_squeeze %dma_wait3A_65 : memref<1x8x1024xf32, #tpu.memory_space<hbm>> -> memref<8x1024xf32, #tpu.memory_space<hbm>>
          %dma_wait3A_67 = arith.constant 0 : i32
          %dma_wait3A_68 = tpu.memref_slice %arg4[%mul3A_61, %mul3A_63, %dma_wait3A_67] : memref<50x1000x1024xf32, #tpu.memory_space<hbm>> -> memref<1x8x1024xf32, #tpu.memory_space<hbm>>
          %dma_wait3A_69 = tpu.memref_squeeze %dma_wait3A_68 : memref<1x8x1024xf32, #tpu.memory_space<hbm>> -> memref<8x1024xf32, #tpu.memory_space<hbm>>
          tpu.wait_dma2 semaphore(%arg9 : memref<!tpu.dma_semaphore, #tpu.memory_space<semaphore_mem>>) src(%arg7 : memref<8x1024xf32, #tpu.memory_space<vmem>>) dst(%dma_wait3A_69 : memref<8x1024xf32, #tpu.memory_space<hbm>>)
          %parallel_loop3A_70 = arith.constant 0 : i32
          %parallel_loop3A_71 = arith.constant 64 : i32
          %parallel_loop3A_72 = arith.constant 1 : i32
          scf.for %parallel_loop3A_100 = %parallel_loop3A_70 to %parallel_loop3A_71 step %parallel_loop3A_72  : i32 {
            %parallel_loop3A_101 = arith.constant 16 : i32
            %parallel_loop3A_102 = arith.muli %parallel_loop3A_101, %parallel_loop3A_100 : i32
            %parallel_loop3A_103 = arith.index_cast %mul3A_61 : i32 to index
            %parallel_loop3A_104 = arith.index_cast %parallel_loop3A_102 : i32 to index
            %parallel_loop3A_105 = tpu.vector_load %arg5[%parallel_loop3A_103, %parallel_loop3A_104] {strides = array<i32>} : memref<50x1024xi32, #tpu.memory_space<vmem>>, vector<16xi32>,
            %parallel_loop3A_106 = arith.constant 0 : i32
            %parallel_loop3A_107 = vector.broadcast %parallel_loop3A_106 : i32 to vector<16xi32>
            %parallel_loop3A_108 = arith.addi %parallel_loop3A_105, %parallel_loop3A_107 : vector<16xi32>
            %parallel_loop3A_109 = tpu.vector_load_idx %arg6[%parallel_loop3A_108] : memref<8192xf32, #tpu.memory_space<vmem>>[vector<16xi32>], vector<16xf32>,
            %parallel_loop3A_110 = arith.constant 0 : i32
            %parallel_loop3A_111 = arith.index_cast %parallel_loop3A_110 : i32 to index
            %parallel_loop3A_112 = arith.index_cast %parallel_loop3A_102 : i32 to index
            %parallel_loop3A_113 = tpu.vector_load %arg7[%parallel_loop3A_111, %parallel_loop3A_112] {strides = array<i32>} : memref<8x1024xf32, #tpu.memory_space<vmem>>, vector<16xf32>,
            tpu.vector_store %arg7[%parallel_loop3A_111, %parallel_loop3A_112], %parallel_loop3A_109 {strides = array<i32>} : memref<8x1024xf32, #tpu.memory_space<vmem>>, vector<16xf32>,
            %parallel_loop3A_114 = arith.constant 1024 : i32
            %parallel_loop3A_115 = vector.broadcast %parallel_loop3A_114 : i32 to vector<16xi32>
            %parallel_loop3A_116 = arith.addi %parallel_loop3A_105, %parallel_loop3A_115 : vector<16xi32>
            %parallel_loop3A_117 = tpu.vector_load_idx %arg6[%parallel_loop3A_116] : memref<8192xf32, #tpu.memory_space<vmem>>[vector<16xi32>], vector<16xf32>,
            %parallel_loop3A_118 = arith.constant 1 : i32
            %parallel_loop3A_119 = arith.index_cast %parallel_loop3A_118 : i32 to index
            %parallel_loop3A_120 = arith.index_cast %parallel_loop3A_102 : i32 to index
            %parallel_loop3A_121 = tpu.vector_load %arg7[%parallel_loop3A_119, %parallel_loop3A_120] {strides = array<i32>} : memref<8x1024xf32, #tpu.memory_space<vmem>>, vector<16xf32>,
            tpu.vector_store %arg7[%parallel_loop3A_119, %parallel_loop3A_120], %parallel_loop3A_117 {strides = array<i32>} : memref<8x1024xf32, #tpu.memory_space<vmem>>, vector<16xf32>,
            %parallel_loop3A_122 = arith.constant 2048 : i32
            %parallel_loop3A_123 = vector.broadcast %parallel_loop3A_122 : i32 to vector<16xi32>
            %parallel_loop3A_124 = arith.addi %parallel_loop3A_105, %parallel_loop3A_123 : vector<16xi32>
            %parallel_loop3A_125 = tpu.vector_load_idx %arg6[%parallel_loop3A_124] : memref<8192xf32, #tpu.memory_space<vmem>>[vector<16xi32>], vector<16xf32>,
            %parallel_loop3A_126 = arith.constant 2 : i32
            %parallel_loop3A_127 = arith.index_cast %parallel_loop3A_126 : i32 to index
            %parallel_loop3A_128 = arith.index_cast %parallel_loop3A_102 : i32 to index
            %parallel_loop3A_129 = tpu.vector_load %arg7[%parallel_loop3A_127, %parallel_loop3A_128] {strides = array<i32>} : memref<8x1024xf32, #tpu.memory_space<vmem>>, vector<16xf32>,
            tpu.vector_store %arg7[%parallel_loop3A_127, %parallel_loop3A_128], %parallel_loop3A_125 {strides = array<i32>} : memref<8x1024xf32, #tpu.memory_space<vmem>>, vector<16xf32>,
            %parallel_loop3A_130 = arith.constant 3072 : i32
            %parallel_loop3A_131 = vector.broadcast %parallel_loop3A_130 : i32 to vector<16xi32>
            %parallel_loop3A_132 = arith.addi %parallel_loop3A_105, %parallel_loop3A_131 : vector<16xi32>
            %parallel_loop3A_133 = tpu.vector_load_idx %arg6[%parallel_loop3A_132] : memref<8192xf32, #tpu.memory_space<vmem>>[vector<16xi32>], vector<16xf32>,
            %parallel_loop3A_134 = arith.constant 3 : i32
            %parallel_loop3A_135 = arith.index_cast %parallel_loop3A_134 : i32 to index
            %parallel_loop3A_136 = arith.index_cast %parallel_loop3A_102 : i32 to index
            %parallel_loop3A_137 = tpu.vector_load %arg7[%parallel_loop3A_135, %parallel_loop3A_136] {strides = array<i32>} : memref<8x1024xf32, #tpu.memory_space<vmem>>, vector<16xf32>,
            tpu.vector_store %arg7[%parallel_loop3A_135, %parallel_loop3A_136], %parallel_loop3A_133 {strides = array<i32>} : memref<8x1024xf32, #tpu.memory_space<vmem>>, vector<16xf32>,
            %parallel_loop3A_138 = arith.constant 4096 : i32
            %parallel_loop3A_139 = vector.broadcast %parallel_loop3A_138 : i32 to vector<16xi32>
            %parallel_loop3A_140 = arith.addi %parallel_loop3A_105, %parallel_loop3A_139 : vector<16xi32>
            %parallel_loop3A_141 = tpu.vector_load_idx %arg6[%parallel_loop3A_140] : memref<8192xf32, #tpu.memory_space<vmem>>[vector<16xi32>], vector<16xf32>,
            %parallel_loop3A_142 = arith.constant 4 : i32
            %parallel_loop3A_143 = arith.index_cast %parallel_loop3A_142 : i32 to index
            %parallel_loop3A_144 = arith.index_cast %parallel_loop3A_102 : i32 to index
            %parallel_loop3A_145 = tpu.vector_load %arg7[%parallel_loop3A_143, %parallel_loop3A_144] {strides = array<i32>} : memref<8x1024xf32, #tpu.memory_space<vmem>>, vector<16xf32>,
            tpu.vector_store %arg7[%parallel_loop3A_143, %parallel_loop3A_144], %parallel_loop3A_141 {strides = array<i32>} : memref<8x1024xf32, #tpu.memory_space<vmem>>, vector<16xf32>,
            %parallel_loop3A_146 = arith.constant 5120 : i32
            %parallel_loop3A_147 = vector.broadcast %parallel_loop3A_146 : i32 to vector<16xi32>
            %parallel_loop3A_148 = arith.addi %parallel_loop3A_105, %parallel_loop3A_147 : vector<16xi32>
            %parallel_loop3A_149 = tpu.vector_load_idx %arg6[%parallel_loop3A_148] : memref<8192xf32, #tpu.memory_space<vmem>>[vector<16xi32>], vector<16xf32>,
            %parallel_loop3A_150 = arith.constant 5 : i32
            %parallel_loop3A_151 = arith.index_cast %parallel_loop3A_150 : i32 to index
            %parallel_loop3A_152 = arith.index_cast %parallel_loop3A_102 : i32 to index
            %parallel_loop3A_153 = tpu.vector_load %arg7[%parallel_loop3A_151, %parallel_loop3A_152] {strides = array<i32>} : memref<8x1024xf32, #tpu.memory_space<vmem>>, vector<16xf32>,
            tpu.vector_store %arg7[%parallel_loop3A_151, %parallel_loop3A_152], %parallel_loop3A_149 {strides = array<i32>} : memref<8x1024xf32, #tpu.memory_space<vmem>>, vector<16xf32>,
            %parallel_loop3A_154 = arith.constant 6144 : i32
            %parallel_loop3A_155 = vector.broadcast %parallel_loop3A_154 : i32 to vector<16xi32>
            %parallel_loop3A_156 = arith.addi %parallel_loop3A_105, %parallel_loop3A_155 : vector<16xi32>
            %parallel_loop3A_157 = tpu.vector_load_idx %arg6[%parallel_loop3A_156] : memref<8192xf32, #tpu.memory_space<vmem>>[vector<16xi32>], vector<16xf32>,
            %parallel_loop3A_158 = arith.constant 6 : i32
            %parallel_loop3A_159 = arith.index_cast %parallel_loop3A_158 : i32 to index
            %parallel_loop3A_160 = arith.index_cast %parallel_loop3A_102 : i32 to index
            %parallel_loop3A_161 = tpu.vector_load %arg7[%parallel_loop3A_159, %parallel_loop3A_160] {strides = array<i32>} : memref<8x1024xf32, #tpu.memory_space<vmem>>, vector<16xf32>,
            tpu.vector_store %arg7[%parallel_loop3A_159, %parallel_loop3A_160], %parallel_loop3A_157 {strides = array<i32>} : memref<8x1024xf32, #tpu.memory_space<vmem>>, vector<16xf32>,
            %parallel_loop3A_162 = arith.constant 7168 : i32
            %parallel_loop3A_163 = vector.broadcast %parallel_loop3A_162 : i32 to vector<16xi32>
            %parallel_loop3A_164 = arith.addi %parallel_loop3A_105, %parallel_loop3A_163 : vector<16xi32>
            %parallel_loop3A_165 = tpu.vector_load_idx %arg6[%parallel_loop3A_164] : memref<8192xf32, #tpu.memory_space<vmem>>[vector<16xi32>], vector<16xf32>,
            %parallel_loop3A_166 = arith.constant 7 : i32
            %parallel_loop3A_167 = arith.index_cast %parallel_loop3A_166 : i32 to index
            %parallel_loop3A_168 = arith.index_cast %parallel_loop3A_102 : i32 to index
            %parallel_loop3A_169 = tpu.vector_load %arg7[%parallel_loop3A_167, %parallel_loop3A_168] {strides = array<i32>} : memref<8x1024xf32, #tpu.memory_space<vmem>>, vector<16xf32>,
            tpu.vector_store %arg7[%parallel_loop3A_167, %parallel_loop3A_168], %parallel_loop3A_165 {strides = array<i32>} : memref<8x1024xf32, #tpu.memory_space<vmem>>, vector<16xf32>,
          } {sc.loop_unroll_factor = 8 : i64, sc.parallel_access}
          %dma_start3A_73 = arith.constant 0 : i32
          %dma_start3A_74 = tpu.memref_slice %arg4[%mul3A_61, %mul3A_63, %dma_start3A_73] : memref<50x1000x1024xf32, #tpu.memory_space<hbm>> -> memref<1x8x1024xf32, #tpu.memory_space<hbm>>
          %dma_start3A_75 = tpu.memref_squeeze %dma_start3A_74 : memref<1x8x1024xf32, #tpu.memory_space<hbm>> -> memref<8x1024xf32, #tpu.memory_space<hbm>>
          %dma_start3A_76 = arith.constant 0 : i32
          %dma_start3A_77 = tpu.memref_slice %arg4[%mul3A_61, %mul3A_63, %dma_start3A_76] : memref<50x1000x1024xf32, #tpu.memory_space<hbm>> -> memref<1x8x1024xf32, #tpu.memory_space<hbm>>
          %dma_start3A_78 = tpu.memref_squeeze %dma_start3A_77 : memref<1x8x1024xf32, #tpu.memory_space<hbm>> -> memref<8x1024xf32, #tpu.memory_space<hbm>>
          tpu.enqueue_dma source(%arg7 : memref<8x1024xf32, #tpu.memory_space<vmem>>) target(%dma_start3A_78 : memref<8x1024xf32, #tpu.memory_space<hbm>>) target_semaphore(%arg9 : memref<!tpu.dma_semaphore, #tpu.memory_space<semaphore_mem>>)
          %mul3A_79 = arith.constant 2 : i32
          %mul3A_80 = arith.muli %mul3A_79, %scan3A_59 : i32
          %add3A_81 = arith.constant 1 : i32
          %add3A_82 = arith.addi %mul3A_80, %add3A_81 : i32
          %mul3A_83 = arith.constant 8 : i32
          %mul3A_84 = arith.muli %mul3A_83, %add3A_9 : i32
          %dma_wait3A_85 = arith.constant 0 : i32
          %dma_wait3A_86 = tpu.memref_slice %arg4[%add3A_82, %mul3A_84, %dma_wait3A_85] : memref<50x1000x1024xf32, #tpu.memory_space<hbm>> -> memref<1x8x1024xf32, #tpu.memory_space<hbm>>
          %dma_wait3A_87 = tpu.memref_squeeze %dma_wait3A_86 : memref<1x8x1024xf32, #tpu.memory_space<hbm>> -> memref<8x1024xf32, #tpu.memory_space<hbm>>
          %dma_wait3A_88 = arith.constant 0 : i32
          %dma_wait3A_89 = tpu.memref_slice %arg4[%add3A_82, %mul3A_84, %dma_wait3A_88] : memref<50x1000x1024xf32, #tpu.memory_space<hbm>> -> memref<1x8x1024xf32, #tpu.memory_space<hbm>>
          %dma_wait3A_90 = tpu.memref_squeeze %dma_wait3A_89 : memref<1x8x1024xf32, #tpu.memory_space<hbm>> -> memref<8x1024xf32, #tpu.memory_space<hbm>>
          tpu.wait_dma2 semaphore(%arg10 : memref<!tpu.dma_semaphore, #tpu.memory_space<semaphore_mem>>) src(%arg8 : memref<8x1024xf32, #tpu.memory_space<vmem>>) dst(%dma_wait3A_90 : memref<8x1024xf32, #tpu.memory_space<hbm>>)
          %parallel_loop3A_91 = arith.constant 0 : i32
          %parallel_loop3A_92 = arith.constant 64 : i32
          %parallel_loop3A_93 = arith.constant 1 : i32
          scf.for %parallel_loop3A_100 = %parallel_loop3A_91 to %parallel_loop3A_92 step %parallel_loop3A_93  : i32 {
            %parallel_loop3A_101 = arith.constant 16 : i32
            %parallel_loop3A_102 = arith.muli %parallel_loop3A_101, %parallel_loop3A_100 : i32
            %parallel_loop3A_103 = arith.index_cast %add3A_82 : i32 to index
            %parallel_loop3A_104 = arith.index_cast %parallel_loop3A_102 : i32 to index
            %parallel_loop3A_105 = tpu.vector_load %arg5[%parallel_loop3A_103, %parallel_loop3A_104] {strides = array<i32>} : memref<50x1024xi32, #tpu.memory_space<vmem>>, vector<16xi32>,
            %parallel_loop3A_106 = arith.constant 0 : i32
            %parallel_loop3A_107 = vector.broadcast %parallel_loop3A_106 : i32 to vector<16xi32>
            %parallel_loop3A_108 = arith.addi %parallel_loop3A_105, %parallel_loop3A_107 : vector<16xi32>
            %parallel_loop3A_109 = tpu.vector_load_idx %arg6[%parallel_loop3A_108] : memref<8192xf32, #tpu.memory_space<vmem>>[vector<16xi32>], vector<16xf32>,
            %parallel_loop3A_110 = arith.constant 0 : i32
            %parallel_loop3A_111 = arith.index_cast %parallel_loop3A_110 : i32 to index
            %parallel_loop3A_112 = arith.index_cast %parallel_loop3A_102 : i32 to index
            %parallel_loop3A_113 = tpu.vector_load %arg8[%parallel_loop3A_111, %parallel_loop3A_112] {strides = array<i32>} : memref<8x1024xf32, #tpu.memory_space<vmem>>, vector<16xf32>,
            tpu.vector_store %arg8[%parallel_loop3A_111, %parallel_loop3A_112], %parallel_loop3A_109 {strides = array<i32>} : memref<8x1024xf32, #tpu.memory_space<vmem>>, vector<16xf32>,
            %parallel_loop3A_114 = arith.constant 1024 : i32
            %parallel_loop3A_115 = vector.broadcast %parallel_loop3A_114 : i32 to vector<16xi32>
            %parallel_loop3A_116 = arith.addi %parallel_loop3A_105, %parallel_loop3A_115 : vector<16xi32>
            %parallel_loop3A_117 = tpu.vector_load_idx %arg6[%parallel_loop3A_116] : memref<8192xf32, #tpu.memory_space<vmem>>[vector<16xi32>], vector<16xf32>,
            %parallel_loop3A_118 = arith.constant 1 : i32
            %parallel_loop3A_119 = arith.index_cast %parallel_loop3A_118 : i32 to index
            %parallel_loop3A_120 = arith.index_cast %parallel_loop3A_102 : i32 to index
            %parallel_loop3A_121 = tpu.vector_load %arg8[%parallel_loop3A_119, %parallel_loop3A_120] {strides = array<i32>} : memref<8x1024xf32, #tpu.memory_space<vmem>>, vector<16xf32>,
            tpu.vector_store %arg8[%parallel_loop3A_119, %parallel_loop3A_120], %parallel_loop3A_117 {strides = array<i32>} : memref<8x1024xf32, #tpu.memory_space<vmem>>, vector<16xf32>,
            %parallel_loop3A_122 = arith.constant 2048 : i32
            %parallel_loop3A_123 = vector.broadcast %parallel_loop3A_122 : i32 to vector<16xi32>
            %parallel_loop3A_124 = arith.addi %parallel_loop3A_105, %parallel_loop3A_123 : vector<16xi32>
            %parallel_loop3A_125 = tpu.vector_load_idx %arg6[%parallel_loop3A_124] : memref<8192xf32, #tpu.memory_space<vmem>>[vector<16xi32>], vector<16xf32>,
            %parallel_loop3A_126 = arith.constant 2 : i32
            %parallel_loop3A_127 = arith.index_cast %parallel_loop3A_126 : i32 to index
            %parallel_loop3A_128 = arith.index_cast %parallel_loop3A_102 : i32 to index
            %parallel_loop3A_129 = tpu.vector_load %arg8[%parallel_loop3A_127, %parallel_loop3A_128] {strides = array<i32>} : memref<8x1024xf32, #tpu.memory_space<vmem>>, vector<16xf32>,
            tpu.vector_store %arg8[%parallel_loop3A_127, %parallel_loop3A_128], %parallel_loop3A_125 {strides = array<i32>} : memref<8x1024xf32, #tpu.memory_space<vmem>>, vector<16xf32>,
            %parallel_loop3A_130 = arith.constant 3072 : i32
            %parallel_loop3A_131 = vector.broadcast %parallel_loop3A_130 : i32 to vector<16xi32>
            %parallel_loop3A_132 = arith.addi %parallel_loop3A_105, %parallel_loop3A_131 : vector<16xi32>
            %parallel_loop3A_133 = tpu.vector_load_idx %arg6[%parallel_loop3A_132] : memref<8192xf32, #tpu.memory_space<vmem>>[vector<16xi32>], vector<16xf32>,
            %parallel_loop3A_134 = arith.constant 3 : i32
            %parallel_loop3A_135 = arith.index_cast %parallel_loop3A_134 : i32 to index
            %parallel_loop3A_136 = arith.index_cast %parallel_loop3A_102 : i32 to index
            %parallel_loop3A_137 = tpu.vector_load %arg8[%parallel_loop3A_135, %parallel_loop3A_136] {strides = array<i32>} : memref<8x1024xf32, #tpu.memory_space<vmem>>, vector<16xf32>,
            tpu.vector_store %arg8[%parallel_loop3A_135, %parallel_loop3A_136], %parallel_loop3A_133 {strides = array<i32>} : memref<8x1024xf32, #tpu.memory_space<vmem>>, vector<16xf32>,
            %parallel_loop3A_138 = arith.constant 4096 : i32
            %parallel_loop3A_139 = vector.broadcast %parallel_loop3A_138 : i32 to vector<16xi32>
            %parallel_loop3A_140 = arith.addi %parallel_loop3A_105, %parallel_loop3A_139 : vector<16xi32>
            %parallel_loop3A_141 = tpu.vector_load_idx %arg6[%parallel_loop3A_140] : memref<8192xf32, #tpu.memory_space<vmem>>[vector<16xi32>], vector<16xf32>,
            %parallel_loop3A_142 = arith.constant 4 : i32
            %parallel_loop3A_143 = arith.index_cast %parallel_loop3A_142 : i32 to index
            %parallel_loop3A_144 = arith.index_cast %parallel_loop3A_102 : i32 to index
            %parallel_loop3A_145 = tpu.vector_load %arg8[%parallel_loop3A_143, %parallel_loop3A_144] {strides = array<i32>} : memref<8x1024xf32, #tpu.memory_space<vmem>>, vector<16xf32>,
            tpu.vector_store %arg8[%parallel_loop3A_143, %parallel_loop3A_144], %parallel_loop3A_141 {strides = array<i32>} : memref<8x1024xf32, #tpu.memory_space<vmem>>, vector<16xf32>,
            %parallel_loop3A_146 = arith.constant 5120 : i32
            %parallel_loop3A_147 = vector.broadcast %parallel_loop3A_146 : i32 to vector<16xi32>
            %parallel_loop3A_148 = arith.addi %parallel_loop3A_105, %parallel_loop3A_147 : vector<16xi32>
            %parallel_loop3A_149 = tpu.vector_load_idx %arg6[%parallel_loop3A_148] : memref<8192xf32, #tpu.memory_space<vmem>>[vector<16xi32>], vector<16xf32>,
            %parallel_loop3A_150 = arith.constant 5 : i32
            %parallel_loop3A_151 = arith.index_cast %parallel_loop3A_150 : i32 to index
            %parallel_loop3A_152 = arith.index_cast %parallel_loop3A_102 : i32 to index
            %parallel_loop3A_153 = tpu.vector_load %arg8[%parallel_loop3A_151, %parallel_loop3A_152] {strides = array<i32>} : memref<8x1024xf32, #tpu.memory_space<vmem>>, vector<16xf32>,
            tpu.vector_store %arg8[%parallel_loop3A_151, %parallel_loop3A_152], %parallel_loop3A_149 {strides = array<i32>} : memref<8x1024xf32, #tpu.memory_space<vmem>>, vector<16xf32>,
            %parallel_loop3A_154 = arith.constant 6144 : i32
            %parallel_loop3A_155 = vector.broadcast %parallel_loop3A_154 : i32 to vector<16xi32>
            %parallel_loop3A_156 = arith.addi %parallel_loop3A_105, %parallel_loop3A_155 : vector<16xi32>
            %parallel_loop3A_157 = tpu.vector_load_idx %arg6[%parallel_loop3A_156] : memref<8192xf32, #tpu.memory_space<vmem>>[vector<16xi32>], vector<16xf32>,
            %parallel_loop3A_158 = arith.constant 6 : i32
            %parallel_loop3A_159 = arith.index_cast %parallel_loop3A_158 : i32 to index
            %parallel_loop3A_160 = arith.index_cast %parallel_loop3A_102 : i32 to index
            %parallel_loop3A_161 = tpu.vector_load %arg8[%parallel_loop3A_159, %parallel_loop3A_160] {strides = array<i32>} : memref<8x1024xf32, #tpu.memory_space<vmem>>, vector<16xf32>,
            tpu.vector_store %arg8[%parallel_loop3A_159, %parallel_loop3A_160], %parallel_loop3A_157 {strides = array<i32>} : memref<8x1024xf32, #tpu.memory_space<vmem>>, vector<16xf32>,
            %parallel_loop3A_162 = arith.constant 7168 : i32
            %parallel_loop3A_163 = vector.broadcast %parallel_loop3A_162 : i32 to vector<16xi32>
            %parallel_loop3A_164 = arith.addi %parallel_loop3A_105, %parallel_loop3A_163 : vector<16xi32>
            %parallel_loop3A_165 = tpu.vector_load_idx %arg6[%parallel_loop3A_164] : memref<8192xf32, #tpu.memory_space<vmem>>[vector<16xi32>], vector<16xf32>,
            %parallel_loop3A_166 = arith.constant 7 : i32
            %parallel_loop3A_167 = arith.index_cast %parallel_loop3A_166 : i32 to index
            %parallel_loop3A_168 = arith.index_cast %parallel_loop3A_102 : i32 to index
            %parallel_loop3A_169 = tpu.vector_load %arg8[%parallel_loop3A_167, %parallel_loop3A_168] {strides = array<i32>} : memref<8x1024xf32, #tpu.memory_space<vmem>>, vector<16xf32>,
            tpu.vector_store %arg8[%parallel_loop3A_167, %parallel_loop3A_168], %parallel_loop3A_165 {strides = array<i32>} : memref<8x1024xf32, #tpu.memory_space<vmem>>, vector<16xf32>,
          } {sc.loop_unroll_factor = 8 : i64, sc.parallel_access}
          %dma_start3A_94 = arith.constant 0 : i32
          %dma_start3A_95 = tpu.memref_slice %arg4[%add3A_82, %mul3A_84, %dma_start3A_94] : memref<50x1000x1024xf32, #tpu.memory_space<hbm>> -> memref<1x8x1024xf32, #tpu.memory_space<hbm>>
          %dma_start3A_96 = tpu.memref_squeeze %dma_start3A_95 : memref<1x8x1024xf32, #tpu.memory_space<hbm>> -> memref<8x1024xf32, #tpu.memory_space<hbm>>
          %dma_start3A_97 = arith.constant 0 : i32
          %dma_start3A_98 = tpu.memref_slice %arg4[%add3A_82, %mul3A_84, %dma_start3A_97] : memref<50x1000x1024xf32, #tpu.memory_space<hbm>> -> memref<1x8x1024xf32, #tpu.memory_space<hbm>>
          %dma_start3A_99 = tpu.memref_squeeze %dma_start3A_98 : memref<1x8x1024xf32, #tpu.memory_space<hbm>> -> memref<8x1024xf32, #tpu.memory_space<hbm>>
          tpu.enqueue_dma source(%arg8 : memref<8x1024xf32, #tpu.memory_space<vmem>>) target(%dma_start3A_99 : memref<8x1024xf32, #tpu.memory_space<hbm>>) target_semaphore(%arg10 : memref<!tpu.dma_semaphore, #tpu.memory_space<semaphore_mem>>)
        }
        %scan3A_41 = arith.constant 24 : i32
        %mul3A_42 = arith.constant 8 : i32
        %mul3A_43 = arith.muli %mul3A_42, %add3A_9 : i32
        %dma_wait3A = arith.constant 0 : i32
        %dma_wait3A_44 = arith.constant 0 : i32
        %dma_wait3A_45 = tpu.memref_slice %arg4[%dma_wait3A, %mul3A_43, %dma_wait3A_44] : memref<50x1000x1024xf32, #tpu.memory_space<hbm>> -> memref<1x8x1024xf32, #tpu.memory_space<hbm>>
        %dma_wait3A_46 = tpu.memref_squeeze %dma_wait3A_45 : memref<1x8x1024xf32, #tpu.memory_space<hbm>> -> memref<8x1024xf32, #tpu.memory_space<hbm>>
        %dma_wait3A_47 = arith.constant 0 : i32
        %dma_wait3A_48 = tpu.memref_slice %arg4[%dma_wait3A, %mul3A_43, %dma_wait3A_47] : memref<50x1000x1024xf32, #tpu.memory_space<hbm>> -> memref<1x8x1024xf32, #tpu.memory_space<hbm>>
        %dma_wait3A_49 = tpu.memref_squeeze %dma_wait3A_48 : memref<1x8x1024xf32, #tpu.memory_space<hbm>> -> memref<8x1024xf32, #tpu.memory_space<hbm>>
        tpu.wait_dma2 semaphore(%arg9 : memref<!tpu.dma_semaphore, #tpu.memory_space<semaphore_mem>>) src(%arg7 : memref<8x1024xf32, #tpu.memory_space<vmem>>) dst(%dma_wait3A_49 : memref<8x1024xf32, #tpu.memory_space<hbm>>)
        %mul3A_50 = arith.constant 8 : i32
        %mul3A_51 = arith.muli %mul3A_50, %add3A_9 : i32
        %dma_wait3A_52 = arith.constant 0 : i32
        %dma_wait3A_53 = arith.constant 0 : i32
        %dma_wait3A_54 = tpu.memref_slice %arg4[%dma_wait3A_52, %mul3A_51, %dma_wait3A_53] : memref<50x1000x1024xf32, #tpu.memory_space<hbm>> -> memref<1x8x1024xf32, #tpu.memory_space<hbm>>
        %dma_wait3A_55 = tpu.memref_squeeze %dma_wait3A_54 : memref<1x8x1024xf32, #tpu.memory_space<hbm>> -> memref<8x1024xf32, #tpu.memory_space<hbm>>
        %dma_wait3A_56 = arith.constant 0 : i32
        %dma_wait3A_57 = tpu.memref_slice %arg4[%dma_wait3A_52, %mul3A_51, %dma_wait3A_56] : memref<50x1000x1024xf32, #tpu.memory_space<hbm>> -> memref<1x8x1024xf32, #tpu.memory_space<hbm>>
        %dma_wait3A_58 = tpu.memref_squeeze %dma_wait3A_57 : memref<1x8x1024xf32, #tpu.memory_space<hbm>> -> memref<8x1024xf32, #tpu.memory_space<hbm>>
        tpu.wait_dma2 semaphore(%arg10 : memref<!tpu.dma_semaphore, #tpu.memory_space<semaphore_mem>>) src(%arg8 : memref<8x1024xf32, #tpu.memory_space<vmem>>) dst(%dma_wait3A_58 : memref<8x1024xf32, #tpu.memory_space<hbm>>)
      } else {
      }
    }
    %scan3A_5 = arith.constant 4 : i32
    return
  }
}

module attributes {stable_mosaic.version = 14 : i64} {
  func.func @_gram_body(%arg0: memref<1000x128xf32, #tpu.memory_space<vmem>>, %arg1: memref<1024x128xf32, #tpu.memory_space<vmem>>, %arg2: memref<1000x1xf32, #tpu.memory_space<vmem>>, %arg3: memref<1000x1024xf32, #tpu.memory_space<vmem>>) attributes {dimension_semantics = [], scalar_prefetch = 0 : i64, scratch_operands = 0 : i64, tpu.core_type = #tpu.core_type<tc>} {
    %get3A = arith.constant 0 : index
    %get3A_0 = arith.constant 0 : index
    %get3A_1 = vector.load %arg0[%get3A, %get3A_0] : memref<1000x128xf32, #tpu.memory_space<vmem>>, vector<1000x128xf32>
    %get3A_2 = arith.constant 0 : index
    %get3A_3 = arith.constant 0 : index
    %get3A_4 = vector.load %arg1[%get3A_2, %get3A_3] : memref<1024x128xf32, #tpu.memory_space<vmem>>, vector<1024x128xf32>
    %dot_general3A = arith.constant dense<0.000000e+00> : vector<1000x1024xf32>
    %dot_general3A_5 = tpu.matmul %get3A_1, %get3A_4, %dot_general3A {dimension_numbers = #tpu.dot_dimension_numbers<[1], [1], [0], [0], [0, 0, 1, 0], [], []>, transpose_lhs_hint = false} : vector<1000x128xf32>, vector<1024x128xf32>, vector<1000x1024xf32> -> vector<1000x1024xf32>
    %get3A_6 = arith.constant 0 : index
    %get3A_7 = arith.constant 0 : index
    %get3A_8 = vector.load %arg2[%get3A_6, %get3A_7] : memref<1000x1xf32, #tpu.memory_space<vmem>>, vector<1000x1xf32>
    %add3A = vector.broadcast %get3A_8 : vector<1000x1xf32> to vector<1000x1024xf32>
    %add3A_9 = arith.addf %dot_general3A_5, %add3A : vector<1000x1024xf32>
    %swap3A = arith.constant 0 : index
    %swap3A_10 = arith.constant 0 : index
    %swap3A_11 = vector.load %arg3[%swap3A, %swap3A_10] : memref<1000x1024xf32, #tpu.memory_space<vmem>>, vector<1000x1024xf32>
    tpu.vector_store %arg3[%swap3A, %swap3A_10], %add3A_9 {strides = array<i32>} : memref<1000x1024xf32, #tpu.memory_space<vmem>>, vector<1000x1024xf32>,
    return
  }
}

</mosaic_0001>

<sc_bundles>
// kernel: kernel.4.cloned.1.call-start
scs
__scs_entry_jumppad:
0x0: {  	(pc) =	sbr.rel $0x88, $3  }
0x1: {  	(tag) =	ssettag $0x0;
	lr =	simm.s32 $0x1  }
0x2: {  	[smem:$0x3F9E] =	sst lr;
	_ =	strace $0xD0000000  }
0x3: {  	_ = 	snop  }
0x4: {  	_ = 	snop  }
0x5: {  	_ = 	snop  }
0x6: {  	_ = 	snop  }
0x7: {  	_ = 	snop  }
__scs_overlays_trampoline_lowered:
0x8: {  	[smem:$0x3FAD] =	sst s0  }
0x9: {  	[smem:$0x3FAE] =	sst s1  }
0xa: {  	[smem:$0x3FAF] =	sst s2  }
0xb: {  	[smem:$0x3FB0] =	sst s3  }
0xc: {  	[smem:$0x3FB1] =	sst s4  }
0xd: {  	[smem:$0x3FB2] =	sst s5  }
0xe: {  	[smem:$0x3FB3] =	sst s6  }
0xf: {  	[smem:$0x3FB4] =	sst s7  }
0x10: {  	[smem:$0x3FB5] =	sst s8  }
0x11: {  	[smem:$0x3FB6] =	sst s9;
	s0 =	simm.s32 @!p0 $0x0  }
0x12: {  	s1 =	sld [smem:$0x3F9C];
	s0 =	simm.s32 @p0 $0x1  }
0x13: {  	[smem:$0x3FB7] =	sst s0;
	s0 =	simm.s32 @!p1 $0x0  }
0x14: {  	s2 =	sld [smem:$0x3F9B];
	s0 =	simm.s32 @p1 $0x1  }
0x15: {  	[smem:$0x3FB8] =	sst s0;
	s0 =	simm.s32 @!p2 $0x0  }
0x16: {  	s3 =	sld [smem:$0x3FDB];
	s0 =	simm.s32 @p2 $0x1  }
0x17: {  	s4 =	simm.s32 $0x1BF5;
	[smem:$0x3FBA] =	sst s0  }
0x18: {  	s0 =	sld [smem:$0x3F9D];
	_ =	swait.ge [sflag:s4], $0x0  }
0x19: {  	s7 =	sld [smem:$0x3F9E]  }
0x1a: {  	s8 =	sadd.s32 $0xFFFFE003, lr  }
0x1b: {  	s9 =	sadd.s32 $0xFFFFFEF7, lr;
	s5 =	simm.s32 $0xFFFFFFFF;
	p2 =	slt.u32 s8, $0xFFFFF086  }
0x1c: {  	p1 =	slt.u32 s9, $0xF7A;
	s5 =	simm.s32 @!p2 $0x0  }
0x1d: {  	s5 =	simm.s32 @p1 $0x1;
	p0 =	seq.s32 s7, s2  }
0x1e: {  	s7 =	smul.u32 @!p0 $0xF7A, s2;
	p2 =	seq.s32 @!p0 s5, $0x0  }
0x1f: {  	s9 =	smul.u32 $0xF7A, s1;
	s8 =	simm.s32 @!p0 $0x1BF5;
	p2 =	por !p2, p0  }
0x20: {  	[sflag:s8] =	ssyncset.s32 @!p0 $0xFFFFF086;
	s6 =	sadd.s32 @!p0 s3, s7;
	s7 =	simm.s32 @!p0 $0x108  }
0x21: {  	s3 =	sadd.s32 s3, s9;
	s6 =	sadd.s32 @!p0 $0x88, s6;
	s7 =	simm.s32 @p2 $0x1082  }
0x22: {  	[simem:s7], [sflag:s8] =	dma.local @!p0 [hbm:s6], $0xF7A  }
0x23: {  	s9 =	sor.u32 $0xD0000000, s2;
	s6 =	simm.s32 $0x108;
	_ =	swait.ge @!p0 [sflag:s8], $0x0  }
0x24: {  	s3 =	sadd.s32 $0x88, s3;
	s6 =	simm.s32 @!p1 $0x1082;
	[sflag:s4] =	ssyncset.s32 $0xFFFFF086  }
0x25: {  	[simem:s6], [sflag:s4] =	dma.local [hbm:s3], $0xF7A  }
0x26: {  	[smem:$0x3F9E] =	sst s1;
	(tag) =	ssettag s2;
	_ =	strace s9  }
0x27: {  	s1 =	sld [smem:$0x3FAE]  }
0x28: {  	s2 =	sld [smem:$0x3FAF]  }
0x29: {  	s4 =	sld [smem:$0x3FB1]  }
0x2a: {  	p0 =	seq.s32 s5, $0x0;
	s5 =	sld [smem:$0x3FB2]  }
0x2b: {  	s6 =	sld [smem:$0x3FB3]  }
0x2c: {  	s7 =	sld [smem:$0x3FB4]  }
0x2d: {  	s3 =	simm.s32 $0x108;
	s8 =	sld [smem:$0x3FB5]  }
0x2e: {  	s3 =	simm.s32 @!p0 $0x1082;
	s9 =	sld [smem:$0x3FB6]  }
0x2f: {  	lr =	sadd.s32 s0, s3;
	s0 =	sld [smem:$0x3FAD]  }
0x30: {  	s3 =	sld [smem:$0x3FB0]  }
0x31: {  	[smem:$0x3FB9] =	sst s10  }
0x32: {  	s10 =	sld [smem:$0x3FB7];
	_ =	sdelay $0x3  }
0x33: {  	p0 =	seq.s32 s10, $0x1;
	s10 =	sld [smem:$0x3FB9];
	_ =	sdelay $0x3  }
0x34: {  	[smem:$0x3FB9] =	sst s10  }
0x35: {  	s10 =	sld [smem:$0x3FB8];
	_ =	sdelay $0x3  }
0x36: {  	p1 =	seq.s32 s10, $0x1;
	s10 =	sld [smem:$0x3FB9];
	_ =	sdelay $0x3  }
0x37: {  	[smem:$0x3FB9] =	sst s10  }
0x38: {  	s10 =	sld [smem:$0x3FBA]  }
0x39: {  	_ = 	snop;
	(pc) =	sbr.ind lr, $3  }
0x3a: {  	_ = 	snop  }
0x3b: {  	_ = 	snop  }
0x3c: {  	p2 =	seq.s32 s10, $0x1;
	s10 =	sld [smem:$0x3FB9]  }
0x3d: {  	_ =	shalt  }
0x3e: {  	_ =	shalt  }
0x3f: {  	_ =	shalt  }
0x40: {  	_ =	shalt  }
0x41: {  	_ =	shalt  }
0x42: {  	_ =	shalt  }
0x43: {  	_ =	shalt  }
0x44: {  	_ =	shalt  }
0x45: {  	_ =	shalt  }
0x46: {  	_ =	shalt  }
0x47: {  	_ =	shalt  }
0x48: {  	_ =	shalt  }
0x49: {  	_ =	shalt  }
0x4a: {  	_ =	shalt  }
0x4b: {  	_ =	shalt  }
0x4c: {  	_ =	shalt  }
0x4d: {  	_ =	shalt  }
0x4e: {  	_ =	shalt  }
0x4f: {  	_ =	shalt  }
0x50: {  	_ =	shalt  }
0x51: {  	_ =	shalt  }
0x52: {  	_ =	shalt  }
0x53: {  	_ =	shalt  }
0x54: {  	_ =	shalt  }
0x55: {  	_ =	shalt  }
0x56: {  	_ =	shalt  }
0x57: {  	_ =	shalt  }
0x58: {  	_ =	shalt  }
0x59: {  	_ =	shalt  }
0x5a: {  	_ =	shalt  }
0x5b: {  	_ =	shalt  }
0x5c: {  	_ =	shalt  }
0x5d: {  	_ =	shalt  }
0x5e: {  	_ =	shalt  }
0x5f: {  	_ =	shalt  }
0x60: {  	_ =	shalt  }
0x61: {  	_ =	shalt  }
0x62: {  	_ =	shalt  }
0x63: {  	_ =	shalt  }
0x64: {  	_ =	shalt  }
0x65: {  	_ =	shalt  }
0x66: {  	_ =	shalt  }
0x67: {  	_ =	shalt  }
0x68: {  	_ =	shalt  }
0x69: {  	_ =	shalt  }
0x6a: {  	_ =	shalt  }
0x6b: {  	_ =	shalt  }
0x6c: {  	_ =	shalt  }
0x6d: {  	_ =	shalt  }
0x6e: {  	_ =	shalt  }
0x6f: {  	_ =	shalt  }
0x70: {  	_ =	shalt  }
0x71: {  	_ =	shalt  }
0x72: {  	_ =	shalt  }
0x73: {  	_ =	shalt  }
0x74: {  	_ =	shalt  }
0x75: {  	_ =	shalt  }
0x76: {  	_ =	shalt  }
0x77: {  	_ =	shalt  }
0x78: {  	_ =	shalt  }
0x79: {  	_ =	shalt  }
0x7a: {  	_ =	shalt  }
0x7b: {  	_ =	shalt  }
0x7c: {  	_ =	shalt  }
0x7d: {  	_ =	shalt  }
0x7e: {  	_ =	shalt  }
0x7f: {  	_ =	shalt  }
0x80: {  	_ =	shalt  }
0x81: {  	_ =	shalt  }
0x82: {  	_ =	shalt  }
0x83: {  	_ =	shalt  }
0x84: {  	_ =	shalt  }
0x85: {  	_ =	shalt  }
0x86: {  	_ =	shalt  }
0x87: {  	_ =	shalt  }
.Lfunc_end0:
.L_simem_size_0:
called_computation_lowered:
.L_overlay_start_0:
0x88: {  	s2 =	sld [smem:$0x3FD9]  }
0x89: {  	s3 =	sld [smem:$0x3FFE];
	_ =	sdelay $0x1  }
0x8a: {  	s1 =	srdreg.scid  }
0x8b: {  	s0 =	sand.u32 $0x1, s1  }
0x8c: {  	s17 =	sshll.u32 s0, $0xA;
	s2 =	sadd.s32 s3, s2  }
0x8d: {  	s2 =	sadd.s32 s2, s17  }
0x8e: {  	[smem:$0x3FC5] =	sst s2  }
0x8f: {  	_ = 	snop  }
0x90: {  	s2 =	sld [smem:$0x3FC9]  }
0x91: {  	s18 =	sld [smem:$0x3FD0];
	(tm) =	ssettm $0x1  }
0x92: {  	s4 =	sld [smem:$0x3FFB];
	_ =	sdelay $0x3  }
0x93: {  	_ =	strace s4  }
0x94: {  	s4 =	sld [smem:$0x3FFC];
	_ =	sdelay $0x3  }
0x95: {  	_ =	strace s4  }
0x96: {  	s4 =	sld [smem:$0x3FFD];
	_ =	sdelay $0x3  }
0x97: {  	_ =	strace s4  }
0x98: {  	_ =	strace $0x8FFFFFFF  }
0x99: {  	s19 =	sld [smem:$0x3FDB];
	_ =	sdelay $0x1  }
0x9a: {  	s5 =	simm.s32 $_scs_section_size  }
0x9b: {  	s6 =	simm.s32 $_size__tile_overlayer_lowered;
	s7 =	simm.s32 $_tile_overlayer_lowered  }
0x9c: {  	s22 =	simm.s32 $0x1BFF;
	s21 =	sshll.u32 s7, $0x1;
	s4 =	sadd.s32 s5, s19  }
0x9d: {  	s8 =	simm.s32 $0x0;
	s20 =	sshll.u32 s6, $0x1;
	s6 =	sadd.s32 s21, s4  }
0x9e: {  	[timem:s8], [sflag:s22] =	dma.local [hbm:s6], s20  }
0x9f: {  	_ =	swait.ge [sflag:s22], s20  }
0xa0: {  	s5 =	ssub.s32 $0x0, s20;
	[sflag:s22] =	ssyncset.done $0x0  }
0xa1: {  	[sflag:s22] =	ssyncadd.s32 s5;
	_ =	sdelay $0x1  }
0xa2: {  	s23 =	simm.s32 $0x1B8B  }
0xa3: {  	_ =	swait.ge [sflag:s23], $0x1  }
0xa4: {  	[sflag:s23] =	ssyncset.done $0x0  }
0xa5: {  	s25 =	simm.s32 $0x1B8E;
	s24 =	sld [smem:$0x3FFE];
	[sflag:s23] =	ssyncadd.s32 $0xFFFFFFFF  }
0xa6: {  	s26 =	simm.s32 $execute0_lowered;
	[smem:$0x3FD2] =	sst s25  }
0xa7: {  	s6 =	sshll.u32 s26, $0x1;
	_ =	strace $0x80000046;
	[dreg:$0x1] =	wrdreg $0xFFFFFFFF  }
0xa8: {  	s28 =	simm.s32 $_size_execute0_lowered;
	s4 =	sadd.s32 s4, s6;
	[dreg:$0x0] =	wrdreg $0x0  }
0xa9: {  	s6 =	sshll.u32 s28, $0x1;
	[dreg:$0x2] =	wrdreg s4  }
0xaa: {  	[dreg:$0x3] =	wrdreg s6  }
0xab: {  	[dreg:$0x4] =	wrdreg $0xC0  }
0xac: {  	_ =	task [dreg:s8], $0x5FFFF  }
0xad: {  	[dreg:$0x1] =	wrdreg $0xFFFFFFFF  }
0xae: {  	[dreg:$0x0] =	wrdreg $0x60  }
0xaf: {  	[dreg:$0x2] =	wrdreg s24  }
0xb0: {  	[dreg:$0x3] =	wrdreg s2  }
0xb1: {  	[dreg:$0x4] =	wrdreg s18  }
0xb2: {  	[dreg:$0x5] =	wrdreg $0x9  }
0xb3: {  	_ =	task.clear_ibuf [dreg:s8], $0x6FFFF;
	_ =	strace $0x90000046  }
0xb4: {  	s29 =	simm.s32 $0x9;
	_ =	strace $0x80000048  }
0xb5: {  	_ =	swait.ge [sflag:s29], $0x1  }
0xb6: {  	[sflag:s29] =	ssyncadd.s32 $0xFFFFFFFF  }
0xb7: {  	_ =	strace $0x90000048  }
0xb8: {  	_ =	sfence  }
0xb9: {  	s30 =	sld [smem:$0x0];
	_ =	sdelay $0x2  }
0xba: {  	s31 =	sshll.u32 s1, $0xD;
	s1 =	sshrl.u32 s1, $0x2  }
0xbb: {  	s3 =	sand.u32 $0x4000, s31;
	s1 =	sadd.s32 s1, s30  }
0xbc: {  	s0 =	sor.u32 s3, s0;
	s1 =	sshll.u32 s1, $0x11  }
0xbd: {  	s0 =	sor.u32 s1, s0  }
0xbe: {  	s0 =	sadd.s32 $0x8F2B, s0  }
0xbf: {  	[sflag:s0] =	ssyncadd.remote.s32 $0x1  }
0xc0: {  	_ =	sfence.sel $0xFFFF  }
0xc1: {  	[dreg:$0x0] =	wrdreg $0xFFFFFFFF;
	(pc) =	sbr.abs _section_cstart, $3  }
0xc2: {  	[dreg:$0x1] =	wrdreg $0xFFFFFFFF  }
0xc3: {  	_ =	task.clear_ibuf [dreg:s8], $0x2FFFF;
	_ =	strace $0x9FFFFFFF  }
0xc4: {  	(tm) =	ssettm $0x7FFFFFFF  }
0xc5: {  	_ =	shalt  }
tec
execute0_lowered:
.L_overlay_start_1:
0x0: {  	(tag) =	ssettag $0x1  }
0x1: {  	s5 =	rddreg [dreg:$0x0]  }
0x2: {  	s1 =	rddreg [dreg:$0x1]  }
0x3: {  	s2 =	rddreg [dreg:$0x2]  }
0x4: {  	s4 =	srdreg.scid;
	s0 =	rddreg [dreg:$0x3];
	s3 =	simm.s32 $0x0  }
0x5: {  	s9 =	simm.s32 $0x3;
	s10 =	simm.s32 $0xE000;
	s11 =	simm.s32 $0x10000  }
.Ltmp0:
0x6: {  	s12 =	simm.s32 $0x12000;
	s4 =	sand.u32 $0x1, s4;
	(pc) =	sbr.rel .LBB2_1-.Ltmp0, $4  }
0x7: {  	s13 =	simm.s32 $0x1;
	s14 =	simm.s32 $0x2;
	s7 =	ssub.s32 $0x2, s4  }
0x8: {  	s15 =	simm.s32 $0x0;
	[smem:$0x7FF] =	sst s3;
	s8 =	sshrl.u32 s7, $0x1  }
0x9: {  	s6 =	sadd.s32 $0x600, s5;
	s5 =	stileid.u32;
	s8 =	ssub.s32 s7, s8  }
0xa: {  	_ =	strace $0x80000047;
	s7 =	sshll.u32 s5, $0x1;
	s8 =	smax.u32 s8, $0x1  }
.LBB2_15:
0xb: {  	s15 =	sadd.s32 $0x1, s15  }
0xc: {  	p0 =	sne.s32 s15, s8  }
.Ltmp1:
0xd: {  	_ = 	snop;
	(pc) =	sbr.rel @!p0 .LBB2_16-.Ltmp1, $1  }
0xe: {  	_ =	sdelay $0x3  }
.LBB2_1:
.Ltmp2:
0xf: {  	(pc) =	sbr.rel .LBB2_2-.Ltmp2, $4  }
0x10: {  	[tilespmem:s3], [sflag:$0x3] =	stream.linear.gather [hbm4b:s1+s3], $0xE000, $0x38;
	[tilespmem:$0x14000] =	vst v63  }
0x11: {  	_ =	swait.ge [sflag:s9], $0xE000  }
0x12: {  	[sflag:s9] =	ssyncset.done $0x0  }
0x13: {  	s16 =	simm.s32 $0x0;
	[sflag:s9] =	ssyncadd.s32 $0xFFFF2000  }
.LBB2_14:
0x14: {  	s16 =	sadd.s32 $0x1, s16  }
0x15: {  	p0 =	sne.s32 s16, $0x4  }
.Ltmp3:
0x16: {  	_ = 	snop;
	(pc) =	sbr.rel @!p0 .LBB2_15-.Ltmp3, $1  }
0x17: {  	_ =	sdelay $0x3  }
.LBB2_2:
0x18: {  	s17 =	sshll.u32 s16, $0x5  }
0x19: {  	s17 =	sor.u32 s17, s7  }
0x1a: {  	s17 =	sor.u32 s4, s17  }
0x1b: {  	p0 =	sgt.u32 s17, $0x7C  }
.Ltmp4:
0x1c: {  	_ = 	snop;
	(pc) =	sbr.rel @p0 .LBB2_14-.Ltmp4, $1  }
0x1d: {  	_ =	sdelay $0x3  }
0x1e: {  	s18 =	sshll.u32 s17, $0xA  }
0x1f: {  	s19 =	sadd.s32 s6, s18  }
0x20: {  	[tilespmem:s10], [sflag:$0x3] =	stream.linear.gather [hbm4b:s19+s3], $0x2000, $0x38;
	[tilespmem:$0x14000] =	vst v63  }
0x21: {  	_ =	swait.ge [sflag:s9], $0x2000  }
0x22: {  	[sflag:s9] =	ssyncset.done $0x0  }
0x23: {  	s31 =	simm.s32 $0x40;
	[sflag:s9] =	ssyncadd.s32 $0xFFFFE000  }
0x24: {  	v7 =	vld [tilespmem:s31+$0x30]  }
0x25: {  	v5 =	vld [tilespmem:s31+$0xFFFFFFD0]  }
0x26: {  	v4 =	vld [tilespmem:s31+$0xFFFFFFE0]  }
0x27: {  	v3 =	vld [tilespmem:s31+$0xFFFFFFF0]  }
0x28: {  	v2 =	vld [tilespmem:s31+$0x0]  }
0x29: {  	v1 =	vld [tilespmem:s31+$0x10]  }
0x2a: {  	v0 =	vld [tilespmem:s31+$0x20]  }
0x2b: {  	v6 =	vld [tilespmem:s31+$0xFFFFFFC0]  }
0x2c: {  	v8 =	vld.idx.msk [tilespmem:v7+s10+$0x0], $0xffff  }
0x2d: {  	v9 =	vld.idx.msk [tilespmem:v5+s10+$0x0], $0xffff  }
0x2e: {  	v10 =	vld.idx.msk [tilespmem:v4+s10+$0x0], $0xffff  }
0x2f: {  	v11 =	vadd.s32 $0x400, v7;
	v12 =	vld.idx.msk [tilespmem:v3+s10+$0x0], $0xffff  }
0x30: {  	v13 =	vadd.s32 $0x400, v5;
	v14 =	vld.idx.msk [tilespmem:v2+s10+$0x0], $0xffff  }
0x31: {  	s19 =	simm.s32 $0x10200;
	v15 =	vadd.s32 $0x400, v4;
	v16 =	vld.idx.msk [tilespmem:v1+s10+$0x0], $0xffff  }
0x32: {  	v17 =	vadd.s32 $0x400, v3;
	v18 =	vld.idx.msk [tilespmem:v0+s10+$0x0], $0xffff;
	[tilespmem:s19+$0xFFFFFE70] =	vst v8  }
0x33: {  	v55 =	vadd.s32 $0x400, v1;
	v19 =	vld.idx.msk [tilespmem:v6+s10+$0x0], $0xffff;
	[tilespmem:s19+$0xFFFFFE10] =	vst v9  }
0x34: {  	v58 =	vadd.s32 $0x400, v6;
	[tilespmem:s19+$0xFFFFFE20] =	vst v10;
	v54 =	vld.idx.msk [tilespmem:v11+s10+$0x0], $0xffff  }
0x35: {  	v59 =	vadd.s32 $0x400, v0;
	[tilespmem:s19+$0xFFFFFE30] =	vst v12;
	v56 =	vld.idx.msk [tilespmem:v13+s10+$0x0], $0xffff  }
0x36: {  	v8 =	vadd.s32 $0x400, v2;
	[tilespmem:s19+$0xFFFFFE40] =	vst v14;
	v15 =	vld.idx.msk [tilespmem:v15+s10+$0x0], $0xffff  }
0x37: {  	v57 =	vadd.s32 $0x800, v7;
	[tilespmem:s19+$0xFFFFFE50] =	vst v16;
	v17 =	vld.idx.msk [tilespmem:v17+s10+$0x0], $0xffff  }
0x38: {  	v60 =	vadd.s32 $0x800, v5;
	[tilespmem:s19+$0xFFFFFE00] =	vst v19;
	v11 =	vld.idx.msk [tilespmem:v55+s10+$0x0], $0xffff  }
0x39: {  	v61 =	vadd.s32 $0x800, v4;
	[tilespmem:s19+$0xFFFFFE60] =	vst v18;
	v13 =	vld.idx.msk [tilespmem:v58+s10+$0x0], $0xffff  }
0x3a: {  	v62 =	vadd.s32 $0x800, v3;
	v21 =	vld.idx.msk [tilespmem:v59+s10+$0x0], $0xffff;
	[tilespmem:s19+$0xFFFFFEF0] =	vst v54  }
0x3b: {  	v23 =	vadd.s32 $0x800, v6;
	v8 =	vld.idx.msk [tilespmem:v8+s10+$0x0], $0xffff;
	[tilespmem:s19+$0xFFFFFE90] =	vst v56  }
0x3c: {  	v24 =	vadd.s32 $0x800, v1;
	[tilespmem:s19+$0xFFFFFEA0] =	vst v15;
	v12 =	vld.idx.msk [tilespmem:v57+s10+$0x0], $0xffff  }
0x3d: {  	v63 =	vadd.s32 $0x800, v2;
	[tilespmem:s19+$0xFFFFFEB0] =	vst v17;
	v16 =	vld.idx.msk [tilespmem:v60+s10+$0x0], $0xffff  }
0x3e: {  	v22 =	vadd.s32 $0xC00, v7;
	[tilespmem:s19+$0xFFFFFED0] =	vst v11;
	v18 =	vld.idx.msk [tilespmem:v61+s10+$0x0], $0xffff  }
0x3f: {  	v25 =	vadd.s32 $0xC00, v5;
	[tilespmem:s19+$0xFFFFFE80] =	vst v13;
	v9 =	vld.idx.msk [tilespmem:v62+s10+$0x0], $0xffff  }
0x40: {  	v26 =	vadd.s32 $0xC00, v4;
	[tilespmem:s19+$0xFFFFFEE0] =	vst v21;
	v15 =	vld.idx.msk [tilespmem:v23+s10+$0x0], $0xffff  }
0x41: {  	v28 =	vadd.s32 $0xC00, v3;
	v29 =	vld.idx.msk [tilespmem:v24+s10+$0x0], $0xffff;
	[tilespmem:s19+$0xFFFFFEC0] =	vst v8  }
0x42: {  	v31 =	vadd.s32 $0xC00, v6;
	v19 =	vld.idx.msk [tilespmem:v63+s10+$0x0], $0xffff;
	[tilespmem:s19+$0xFFFFFF70] =	vst v12  }
0x43: {  	v33 =	vadd.s32 $0xC00, v1;
	[tilespmem:s19+$0xFFFFFF10] =	vst v16;
	v27 =	vld.idx.msk [tilespmem:v22+s10+$0x0], $0xffff  }
0x44: {  	v8 =	vadd.s32 $0x800, v0;
	[tilespmem:s19+$0xFFFFFF20] =	vst v18;
	v11 =	vld.idx.msk [tilespmem:v25+s10+$0x0], $0xffff  }
0x45: {  	v32 =	vadd.s32 $0xC00, v2;
	[tilespmem:s19+$0xFFFFFF30] =	vst v9;
	v12 =	vld.idx.msk [tilespmem:v26+s10+$0x0], $0xffff  }
0x46: {  	v30 =	vadd.s32 $0x1000, v7;
	[tilespmem:s19+$0xFFFFFF00] =	vst v15;
	v14 =	vld.idx.msk [tilespmem:v28+s10+$0x0], $0xffff  }
0x47: {  	v35 =	vadd.s32 $0x1000, v5;
	[tilespmem:s19+$0xFFFFFF50] =	vst v29;
	v17 =	vld.idx.msk [tilespmem:v31+s10+$0x0], $0xffff  }
0x48: {  	v37 =	vadd.s32 $0x1000, v4;
	v9 =	vld.idx.msk [tilespmem:v33+s10+$0x0], $0xffff;
	[tilespmem:s19+$0xFFFFFF40] =	vst v19  }
0x49: {  	v39 =	vadd.s32 $0x1000, v6;
	v8 =	vld.idx.msk [tilespmem:v8+s10+$0x0], $0xffff;
	[tilespmem:s19+$0xFFFFFFF0] =	vst v27  }
0x4a: {  	v40 =	vadd.s32 $0x1000, v3;
	v38 =	vld.idx.msk [tilespmem:v32+s10+$0x0], $0xffff;
	[tilespmem:s19+$0xFFFFFF90] =	vst v11  }
0x4b: {  	v43 =	vadd.s32 $0x1000, v1;
	[tilespmem:s19+$0xFFFFFFA0] =	vst v12;
	v36 =	vld.idx.msk [tilespmem:v30+s10+$0x0], $0xffff  }
0x4c: {  	v34 =	vadd.s32 $0xC00, v0;
	[tilespmem:s19+$0xFFFFFFB0] =	vst v14;
	v13 =	vld.idx.msk [tilespmem:v35+s10+$0x0], $0xffff  }
0x4d: {  	v42 =	vadd.s32 $0x1000, v2;
	[tilespmem:s19+$0xFFFFFF80] =	vst v17;
	v16 =	vld.idx.msk [tilespmem:v37+s10+$0x0], $0xffff  }
0x4e: {  	v18 =	vld.idx.msk [tilespmem:v39+s10+$0x0], $0xffff;
	[tilespmem:s19+$0xFFFFFF60] =	vst v8;
	v8 =	vadd.s32 $0x1400, v7  }
0x4f: {  	v45 =	vadd.s32 $0x1400, v5;
	[tilespmem:s19+$0xFFFFFFD0] =	vst v9;
	v46 =	vld.idx.msk [tilespmem:v40+s10+$0x0], $0xffff  }
0x50: {  	v48 =	vadd.s32 $0x1400, v6;
	v50 =	vld.idx.msk [tilespmem:v43+s10+$0x0], $0xffff;
	[tilespmem:s19+$0xFFFFFFC0] =	vst v38  }
0x51: {  	v49 =	vadd.s32 $0x1400, v4;
	v41 =	vld.idx.msk [tilespmem:v34+s10+$0x0], $0xffff;
	[tilespmem:s19+$0x70] =	vst v36  }
0x52: {  	v44 =	vadd.s32 $0x1000, v0;
	v19 =	vld.idx.msk [tilespmem:v42+s10+$0x0], $0xffff;
	[tilespmem:s19+$0x10] =	vst v13  }
0x53: {  	v51 =	vadd.s32 $0x1400, v3;
	[tilespmem:s19+$0x20] =	vst v16;
	v8 =	vld.idx.msk [tilespmem:v8+s10+$0x0], $0xffff  }
0x54: {  	v47 =	vadd.s32 $0x1800, v7;
	[tilespmem:s19+$0x0] =	vst v18;
	v17 =	vld.idx.msk [tilespmem:v45+s10+$0x0], $0xffff  }
0x55: {  	v52 =	vadd.s32 $0x1400, v2;
	[tilespmem:s19+$0x30] =	vst v46;
	v11 =	vld.idx.msk [tilespmem:v48+s10+$0x0], $0xffff  }
0x56: {  	v55 =	vadd.s32 $0x1800, v6;
	v54 =	vld.idx.msk [tilespmem:v49+s10+$0x0], $0xffff;
	[tilespmem:s19+$0xFFFFFFE0] =	vst v41  }
0x57: {  	v56 =	vadd.s32 $0x1800, v5;
	[tilespmem:s19+$0x50] =	vst v50;
	v15 =	vld.idx.msk [tilespmem:v44+s10+$0x0], $0xffff  }
0x58: {  	v53 =	vadd.s32 $0x1400, v0;
	v14 =	vld.idx.msk [tilespmem:v51+s10+$0x0], $0xffff;
	[tilespmem:s19+$0xF0] =	vst v8  }
0x59: {  	[tilespmem:s19+$0x40] =	vst v19;
	v8 =	vadd.s32 $0x1400, v1;
	v9 =	vld.idx.msk [tilespmem:v47+s10+$0x0], $0xffff  }
0x5a: {  	v7 =	vadd.s32 $0x1C00, v7;
	v16 =	vld.idx.msk [tilespmem:v52+s10+$0x0], $0xffff;
	[tilespmem:s19+$0x80] =	vst v11  }
0x5b: {  	v57 =	vadd.s32 $0x1800, v4;
	[tilespmem:s19+$0x90] =	vst v17;
	v12 =	vld.idx.msk [tilespmem:v55+s10+$0x0], $0xffff  }
0x5c: {  	v58 =	vadd.s32 $0x1800, v3;
	v13 =	vld.idx.msk [tilespmem:v56+s10+$0x0], $0xffff;
	[tilespmem:s19+$0x60] =	vst v15  }
0x5d: {  	v59 =	vadd.s32 $0x1800, v2;
	[tilespmem:s19+$0xA0] =	vst v54;
	v18 =	vld.idx.msk [tilespmem:v53+s10+$0x0], $0xffff  }
0x5e: {  	v6 =	vadd.s32 $0x1C00, v6;
	v8 =	vld.idx.msk [tilespmem:v8+s10+$0x0], $0xffff;
	[tilespmem:s19+$0x170] =	vst v9  }
0x5f: {  	v60 =	vadd.s32 $0x1800, v1;
	[tilespmem:s19+$0xB0] =	vst v14;
	v7 =	vld.idx.msk [tilespmem:v7+s10+$0x0], $0xffff  }
0x60: {  	v61 =	vadd.s32 $0x1800, v0;
	v62 =	vld.idx.msk [tilespmem:v57+s10+$0x0], $0xffff;
	[tilespmem:s19+$0xC0] =	vst v16  }
0x61: {  	v5 =	vadd.s32 $0x1C00, v5;
	v63 =	vld.idx.msk [tilespmem:v58+s10+$0x0], $0xffff;
	[tilespmem:s19+$0x100] =	vst v12  }
0x62: {  	v3 =	vadd.s32 $0x1C00, v3;
	v9 =	vld.idx.msk [tilespmem:v59+s10+$0x0], $0xffff;
	[tilespmem:s19+$0xE0] =	vst v18  }
0x63: {  	v12 =	vld.idx.msk [tilespmem:v6+s10+$0x0], $0xffff;
	[tilespmem:s19+$0xD0] =	vst v8;
	v8 =	vadd.s32 $0x1C00, v4  }
0x64: {  	v11 =	vld.idx.msk [tilespmem:v60+s10+$0x0], $0xffff;
	[tilespmem:s19+$0x1F0] =	vst v7;
	v7 =	vadd.s32 $0x1C00, v2  }
0x65: {  	v1 =	vadd.s32 $0x1C00, v1;
	[tilespmem:s19+$0x110] =	vst v13;
	v10 =	vld.idx.msk [tilespmem:v61+s10+$0x0], $0xffff  }
0x66: {  	v0 =	vadd.s32 $0x1C00, v0;
	[tilespmem:s19+$0x130] =	vst v63;
	v4 =	vld.idx.msk [tilespmem:v5+s10+$0x0], $0xffff  }
0x67: {  	[tilespmem:s19+$0x120] =	vst v62;
	v2 =	vld.idx.msk [tilespmem:v3+s10+$0x0], $0xffff  }
0x68: {  	[tilespmem:s19+$0x140] =	vst v9;
	v5 =	vld.idx.msk [tilespmem:v8+s10+$0x0], $0xffff  }
0x69: {  	[tilespmem:s19+$0x150] =	vst v11;
	v6 =	vld.idx.msk [tilespmem:v7+s10+$0x0], $0xffff  }
0x6a: {  	[tilespmem:s19+$0x160] =	vst v10;
	v3 =	vld.idx.msk [tilespmem:v1+s10+$0x0], $0xffff  }
0x6b: {  	s20 =	simm.s32 $0x0;
	s21 =	simm.s32 $0x440;
	[tilespmem:s19+$0x180] =	vst v12;
	v1 =	vld.idx.msk [tilespmem:v0+s10+$0x0], $0xffff  }
.LBB2_4:
0x6c: {  	v0 =	vld [tilespmem:s21+$0x30];
	s20 =	sadd.s32 $0x8, s20;
	[tilespmem:s19+$0x190] =	vst v4  }
0x6d: {  	v7 =	vld [tilespmem:s21+$0xFFFFFFD0];
	p0 =	slt.u32 s20, $0x38;
	[tilespmem:s19+$0x1A0] =	vst v5  }
0x6e: {  	v5 =	vld [tilespmem:s21+$0xFFFFFFE0];
	[tilespmem:s19+$0x1B0] =	vst v2  }
0x6f: {  	v2 =	vld [tilespmem:s21+$0xFFFFFFF0];
	[tilespmem:s19+$0x1C0] =	vst v6  }
0x70: {  	v6 =	vld [tilespmem:s21+$0x0];
	[tilespmem:s19+$0x1D0] =	vst v3  }
0x71: {  	v3 =	vld [tilespmem:s21+$0x10];
	[tilespmem:s19+$0x1E0] =	vst v1  }
0x72: {  	v1 =	vadd.s32 $0x400, v7;
	v21 =	vadd.s32 $0x800, v7;
	v22 =	vadd.s32 $0xC00, v7;
	v23 =	vld [tilespmem:s21+$0x20]  }
0x73: {  	v4 =	vld [tilespmem:s21+$0xFFFFFFC0];
	v8 =	vadd.s32 $0x400, v5;
	v24 =	vadd.s32 $0x800, v5;
	v25 =	vadd.s32 $0xC00, v5  }
0x74: {  	v9 =	vadd.s32 $0x400, v2;
	v26 =	vadd.s32 $0x800, v2;
	v27 =	vadd.s32 $0xC00, v2;
	v10 =	vld.idx.msk [tilespmem:v0+s10+$0x0], $0xffff  }
0x75: {  	v11 =	vld.idx.msk [tilespmem:v7+s10+$0x0], $0xffff;
	v12 =	vadd.s32 $0x400, v6;
	v28 =	vadd.s32 $0x800, v6;
	v29 =	vadd.s32 $0xC00, v6  }
0x76: {  	v14 =	vadd.s32 $0x400, v0;
	v13 =	vld.idx.msk [tilespmem:v5+s10+$0x0], $0xffff;
	v30 =	vadd.s32 $0x400, v3;
	v31 =	vadd.s32 $0x800, v3  }
0x77: {  	v32 =	vadd.s32 $0xC00, v3;
	v16 =	vld.idx.msk [tilespmem:v2+s10+$0x0], $0xffff;
	v33 =	vadd.s32 $0x400, v23;
	v34 =	vadd.s32 $0x800, v23  }
0x78: {  	v35 =	vadd.s32 $0x400, v4;
	v36 =	vadd.s32 $0x800, v4;
	v37 =	vadd.s32 $0xC00, v4;
	v20 =	vld.idx.msk [tilespmem:v6+s10+$0x0], $0xffff  }
0x79: {  	s19 =	sadd.s32 $0x400, s19;
	v39 =	vadd.s32 $0x1000, v7;
	v41 =	vadd.s32 $0xC00, v23;
	v38 =	vadd.s32 $0x1000, v4;
	v40 =	vld.idx.msk [tilespmem:v3+s10+$0x0], $0xffff  }
0x7a: {  	v42 =	vadd.s32 $0x1000, v5;
	v43 =	vadd.s32 $0x1000, v2;
	v44 =	vadd.s32 $0x1000, v6;
	v45 =	vld.idx.msk [tilespmem:v23+s10+$0x0], $0xffff;
	[tilespmem:s19+$0xFFFFFE70] =	vst v10  }
0x7b: {  	v46 =	vadd.s32 $0x1000, v3;
	v47 =	vadd.s32 $0x1000, v23;
	v15 =	vadd.s32 $0x1400, v4;
	[tilespmem:s19+$0xFFFFFE10] =	vst v11;
	v48 =	vld.idx.msk [tilespmem:v14+s10+$0x0], $0xffff  }
0x7c: {  	v50 =	vadd.s32 $0x1400, v7;
	v19 =	vadd.s32 $0x1400, v5;
	v17 =	vadd.s32 $0x1400, v2;
	v49 =	vld.idx.msk [tilespmem:v4+s10+$0x0], $0xffff;
	[tilespmem:s19+$0xFFFFFE20] =	vst v13  }
0x7d: {  	v52 =	vadd.s32 $0x800, v0;
	v18 =	vadd.s32 $0x1400, v6;
	v51 =	vld.idx.msk [tilespmem:v1+s10+$0x0], $0xffff;
	[tilespmem:s19+$0xFFFFFE30] =	vst v16;
	v16 =	vadd.s32 $0x1400, v3  }
0x7e: {  	v10 =	vadd.s32 $0x1800, v7;
	v13 =	vadd.s32 $0x1800, v4;
	v53 =	vld.idx.msk [tilespmem:v8+s10+$0x0], $0xffff;
	[tilespmem:s19+$0xFFFFFE40] =	vst v20;
	v20 =	vadd.s32 $0x1400, v23  }
0x7f: {  	v14 =	vadd.s32 $0x1800, v5;
	v11 =	vadd.s32 $0x1800, v2;
	v8 =	vadd.s32 $0x1800, v6;
	v54 =	vld.idx.msk [tilespmem:v9+s10+$0x0], $0xffff;
	[tilespmem:s19+$0xFFFFFE50] =	vst v40  }
0x80: {  	v4 =	vadd.s32 $0x1C00, v4;
	v9 =	vadd.s32 $0x1800, v23;
	v40 =	vld.idx.msk [tilespmem:v12+s10+$0x0], $0xffff;
	v12 =	vadd.s32 $0x1800, v3;
	[tilespmem:s19+$0xFFFFFE60] =	vst v45  }
0x81: {  	v7 =	vadd.s32 $0x1C00, v7;
	v5 =	vadd.s32 $0x1C00, v5;
	v2 =	vadd.s32 $0x1C00, v2;
	v30 =	vld.idx.msk [tilespmem:v30+s10+$0x0], $0xffff;
	[tilespmem:s19+$0xFFFFFEF0] =	vst v48  }
0x82: {  	v1 =	vadd.s32 $0x1C00, v23;
	v6 =	vadd.s32 $0x1C00, v6;
	v3 =	vadd.s32 $0x1C00, v3;
	[tilespmem:s19+$0xFFFFFE00] =	vst v49;
	v23 =	vld.idx.msk [tilespmem:v52+s10+$0x0], $0xffff  }
0x83: {  	v35 =	vld.idx.msk [tilespmem:v35+s10+$0x0], $0xffff;
	[tilespmem:s19+$0xFFFFFE90] =	vst v51  }
0x84: {  	v45 =	vadd.s32 $0xC00, v0;
	[tilespmem:s19+$0xFFFFFEA0] =	vst v53;
	v33 =	vld.idx.msk [tilespmem:v33+s10+$0x0], $0xffff  }
0x85: {  	v21 =	vld.idx.msk [tilespmem:v21+s10+$0x0], $0xffff;
	[tilespmem:s19+$0xFFFFFEB0] =	vst v54  }
0x86: {  	v24 =	vld.idx.msk [tilespmem:v24+s10+$0x0], $0xffff;
	[tilespmem:s19+$0xFFFFFEC0] =	vst v40  }
0x87: {  	v26 =	vld.idx.msk [tilespmem:v26+s10+$0x0], $0xffff;
	[tilespmem:s19+$0xFFFFFED0] =	vst v30  }
0x88: {  	v28 =	vld.idx.msk [tilespmem:v28+s10+$0x0], $0xffff;
	[tilespmem:s19+$0xFFFFFF70] =	vst v23  }
0x89: {  	[tilespmem:s19+$0xFFFFFE80] =	vst v35;
	v23 =	vld.idx.msk [tilespmem:v45+s10+$0x0], $0xffff  }
0x8a: {  	v30 =	vld.idx.msk [tilespmem:v36+s10+$0x0], $0xffff;
	[tilespmem:s19+$0xFFFFFEE0] =	vst v33  }
0x8b: {  	[tilespmem:s19+$0xFFFFFF10] =	vst v21;
	v21 =	vld.idx.msk [tilespmem:v31+s10+$0x0], $0xffff;
	v31 =	vadd.s32 $0x1000, v0  }
0x8c: {  	[tilespmem:s19+$0xFFFFFF20] =	vst v24;
	v24 =	vld.idx.msk [tilespmem:v34+s10+$0x0], $0xffff  }
0x8d: {  	v22 =	vld.idx.msk [tilespmem:v22+s10+$0x0], $0xffff;
	[tilespmem:s19+$0xFFFFFF30] =	vst v26  }
0x8e: {  	v25 =	vld.idx.msk [tilespmem:v25+s10+$0x0], $0xffff;
	[tilespmem:s19+$0xFFFFFF40] =	vst v28  }
0x8f: {  	v26 =	vld.idx.msk [tilespmem:v27+s10+$0x0], $0xffff;
	[tilespmem:s19+$0xFFFFFFF0] =	vst v23  }
0x90: {  	[tilespmem:s19+$0xFFFFFF00] =	vst v30;
	v23 =	vld.idx.msk [tilespmem:v31+s10+$0x0], $0xffff  }
0x91: {  	v27 =	vld.idx.msk [tilespmem:v37+s10+$0x0], $0xffff;
	[tilespmem:s19+$0xFFFFFF50] =	vst v21  }
0x92: {  	v21 =	vld.idx.msk [tilespmem:v29+s10+$0x0], $0xffff;
	[tilespmem:s19+$0xFFFFFF60] =	vst v24;
	v24 =	vadd.s32 $0x1400, v0  }
0x93: {  	[tilespmem:s19+$0xFFFFFF90] =	vst v22;
	v22 =	vld.idx.msk [tilespmem:v32+s10+$0x0], $0xffff  }
0x94: {  	[tilespmem:s19+$0xFFFFFFA0] =	vst v25;
	v25 =	vld.idx.msk [tilespmem:v41+s10+$0x0], $0xffff  }
0x95: {  	v28 =	vld.idx.msk [tilespmem:v39+s10+$0x0], $0xffff;
	[tilespmem:s19+$0xFFFFFFB0] =	vst v26  }
0x96: {  	v26 =	vld.idx.msk [tilespmem:v42+s10+$0x0], $0xffff;
	[tilespmem:s19+$0x70] =	vst v23  }
0x97: {  	[tilespmem:s19+$0xFFFFFF80] =	vst v27;
	v23 =	vld.idx.msk [tilespmem:v24+s10+$0x0], $0xffff  }
0x98: {  	v24 =	vld.idx.msk [tilespmem:v38+s10+$0x0], $0xffff;
	[tilespmem:s19+$0xFFFFFFC0] =	vst v21  }
0x99: {  	v21 =	vld.idx.msk [tilespmem:v43+s10+$0x0], $0xffff;
	[tilespmem:s19+$0xFFFFFFD0] =	vst v22;
	v22 =	vadd.s32 $0x1800, v0  }
0x9a: {  	v27 =	vld.idx.msk [tilespmem:v44+s10+$0x0], $0xffff;
	[tilespmem:s19+$0xFFFFFFE0] =	vst v25  }
0x9b: {  	[tilespmem:s19+$0x10] =	vst v28;
	v25 =	vld.idx.msk [tilespmem:v46+s10+$0x0], $0xffff  }
0x9c: {  	[tilespmem:s19+$0x20] =	vst v26;
	v26 =	vld.idx.msk [tilespmem:v47+s10+$0x0], $0xffff  }
0x9d: {  	v28 =	vld.idx.msk [tilespmem:v50+s10+$0x0], $0xffff;
	[tilespmem:s19+$0xF0] =	vst v23  }
0x9e: {  	[tilespmem:s19+$0x0] =	vst v24;
	v22 =	vld.idx.msk [tilespmem:v22+s10+$0x0], $0xffff  }
0x9f: {  	v15 =	vld.idx.msk [tilespmem:v15+s10+$0x0], $0xffff;
	[tilespmem:s19+$0x30] =	vst v21  }
0xa0: {  	v0 =	vadd.s32 $0x1C00, v0;
	v19 =	vld.idx.msk [tilespmem:v19+s10+$0x0], $0xffff;
	[tilespmem:s19+$0x40] =	vst v27  }
0xa1: {  	v17 =	vld.idx.msk [tilespmem:v17+s10+$0x0], $0xffff;
	[tilespmem:s19+$0x50] =	vst v25  }
0xa2: {  	v18 =	vld.idx.msk [tilespmem:v18+s10+$0x0], $0xffff;
	[tilespmem:s19+$0x60] =	vst v26  }
0xa3: {  	[tilespmem:s19+$0x90] =	vst v28;
	v16 =	vld.idx.msk [tilespmem:v16+s10+$0x0], $0xffff  }
0xa4: {  	v20 =	vld.idx.msk [tilespmem:v20+s10+$0x0], $0xffff;
	[tilespmem:s19+$0x170] =	vst v22  }
0xa5: {  	[tilespmem:s19+$0x80] =	vst v15;
	v0 =	vld.idx.msk [tilespmem:v0+s10+$0x0], $0xffff  }
0xa6: {  	v13 =	vld.idx.msk [tilespmem:v13+s10+$0x0], $0xffff;
	[tilespmem:s19+$0xA0] =	vst v19  }
0xa7: {  	v10 =	vld.idx.msk [tilespmem:v10+s10+$0x0], $0xffff;
	[tilespmem:s19+$0xB0] =	vst v17  }
0xa8: {  	v14 =	vld.idx.msk [tilespmem:v14+s10+$0x0], $0xffff;
	[tilespmem:s19+$0xC0] =	vst v18  }
0xa9: {  	v11 =	vld.idx.msk [tilespmem:v11+s10+$0x0], $0xffff;
	[tilespmem:s19+$0xD0] =	vst v16  }
0xaa: {  	v8 =	vld.idx.msk [tilespmem:v8+s10+$0x0], $0xffff;
	[tilespmem:s19+$0xE0] =	vst v20  }
0xab: {  	v12 =	vld.idx.msk [tilespmem:v12+s10+$0x0], $0xffff;
	[tilespmem:s19+$0x1F0] =	vst v0  }
0xac: {  	[tilespmem:s19+$0x100] =	vst v13;
	v0 =	vld.idx.msk [tilespmem:v9+s10+$0x0], $0xffff  }
0xad: {  	v9 =	vld.idx.msk [tilespmem:v4+s10+$0x0], $0xffff;
	[tilespmem:s19+$0x110] =	vst v10  }
0xae: {  	v4 =	vld.idx.msk [tilespmem:v7+s10+$0x0], $0xffff;
	[tilespmem:s19+$0x120] =	vst v14  }
.Ltmp5:
0xaf: {  	v5 =	vld.idx.msk [tilespmem:v5+s10+$0x0], $0xffff;
	[tilespmem:s19+$0x130] =	vst v11;
	(pc) =	sbr.rel @p0 .LBB2_4-.Ltmp5, $4  }
0xb0: {  	v2 =	vld.idx.msk [tilespmem:v2+s10+$0x0], $0xffff;
	[tilespmem:s19+$0x140] =	vst v8  }
0xb1: {  	v6 =	vld.idx.msk [tilespmem:v6+s10+$0x0], $0xffff;
	[tilespmem:s19+$0x150] =	vst v12  }
0xb2: {  	v3 =	vld.idx.msk [tilespmem:v3+s10+$0x0], $0xffff;
	[tilespmem:s19+$0x160] =	vst v0  }
0xb3: {  	s21 =	sadd.s32 $0x400, s21;
	[tilespmem:s19+$0x180] =	vst v9;
	v1 =	vld.idx.msk [tilespmem:v1+s10+$0x0], $0xffff  }
0xb4: {  	[tilespmem:s19+$0x190] =	vst v4  }
0xb5: {  	[tilespmem:s19+$0x1A0] =	vst v5  }
0xb6: {  	[tilespmem:s19+$0x1B0] =	vst v2  }
0xb7: {  	[tilespmem:s19+$0x1C0] =	vst v6  }
0xb8: {  	[tilespmem:s19+$0x1D0] =	vst v3  }
0xb9: {  	s18 =	sadd.s32 s2, s18;
	s31 =	simm.s32 $0xF0;
	[tilespmem:s19+$0x1E0] =	vst v1  }
0xba: {  	[hbm4b:s18+s3] =	stream.linear.scatter [tilespmem:s11], [sflag:$0x1], $0x2000, $0x38;
	[tilespmem:$0x14000] =	vst v63  }
0xbb: {  	v7 =	vld [tilespmem:s31+$0x0]  }
0xbc: {  	v5 =	vld [tilespmem:s31+$0xFFFFFFA0]  }
0xbd: {  	v4 =	vld [tilespmem:s31+$0xFFFFFFB0]  }
0xbe: {  	v3 =	vld [tilespmem:s31+$0xFFFFFFC0]  }
0xbf: {  	v2 =	vld [tilespmem:s31+$0xFFFFFFD0]  }
0xc0: {  	v1 =	vld [tilespmem:s31+$0xFFFFFFE0]  }
0xc1: {  	v0 =	vld [tilespmem:s31+$0xFFFFFFF0]  }
0xc2: {  	v6 =	vld [tilespmem:s31+$0xFFFFFF90]  }
0xc3: {  	v8 =	vld.idx.msk [tilespmem:v7+s10+$0x0], $0xffff  }
0xc4: {  	v9 =	vld.idx.msk [tilespmem:v5+s10+$0x0], $0xffff  }
0xc5: {  	v10 =	vld.idx.msk [tilespmem:v4+s10+$0x0], $0xffff  }
0xc6: {  	v11 =	vadd.s32 $0x400, v7;
	v12 =	vld.idx.msk [tilespmem:v3+s10+$0x0], $0xffff  }
0xc7: {  	v13 =	vadd.s32 $0x400, v5;
	v14 =	vld.idx.msk [tilespmem:v2+s10+$0x0], $0xffff  }
0xc8: {  	s18 =	simm.s32 $0x12200;
	v15 =	vadd.s32 $0x400, v4;
	v16 =	vld.idx.msk [tilespmem:v1+s10+$0x0], $0xffff  }
0xc9: {  	v17 =	vadd.s32 $0x400, v3;
	v18 =	vld.idx.msk [tilespmem:v0+s10+$0x0], $0xffff;
	[tilespmem:s18+$0xFFFFFE70] =	vst v8  }
0xca: {  	v55 =	vadd.s32 $0x400, v1;
	v19 =	vld.idx.msk [tilespmem:v6+s10+$0x0], $0xffff;
	[tilespmem:s18+$0xFFFFFE10] =	vst v9  }
0xcb: {  	v58 =	vadd.s32 $0x400, v6;
	[tilespmem:s18+$0xFFFFFE20] =	vst v10;
	v54 =	vld.idx.msk [tilespmem:v11+s10+$0x0], $0xffff  }
0xcc: {  	v59 =	vadd.s32 $0x400, v0;
	[tilespmem:s18+$0xFFFFFE30] =	vst v12;
	v56 =	vld.idx.msk [tilespmem:v13+s10+$0x0], $0xffff  }
0xcd: {  	v8 =	vadd.s32 $0x400, v2;
	[tilespmem:s18+$0xFFFFFE40] =	vst v14;
	v15 =	vld.idx.msk [tilespmem:v15+s10+$0x0], $0xffff  }
0xce: {  	v57 =	vadd.s32 $0x800, v7;
	[tilespmem:s18+$0xFFFFFE50] =	vst v16;
	v17 =	vld.idx.msk [tilespmem:v17+s10+$0x0], $0xffff  }
0xcf: {  	v60 =	vadd.s32 $0x800, v5;
	[tilespmem:s18+$0xFFFFFE00] =	vst v19;
	v11 =	vld.idx.msk [tilespmem:v55+s10+$0x0], $0xffff  }
0xd0: {  	v61 =	vadd.s32 $0x800, v4;
	[tilespmem:s18+$0xFFFFFE60] =	vst v18;
	v13 =	vld.idx.msk [tilespmem:v58+s10+$0x0], $0xffff  }
0xd1: {  	v62 =	vadd.s32 $0x800, v3;
	v21 =	vld.idx.msk [tilespmem:v59+s10+$0x0], $0xffff;
	[tilespmem:s18+$0xFFFFFEF0] =	vst v54  }
0xd2: {  	v23 =	vadd.s32 $0x800, v6;
	v8 =	vld.idx.msk [tilespmem:v8+s10+$0x0], $0xffff;
	[tilespmem:s18+$0xFFFFFE90] =	vst v56  }
0xd3: {  	v24 =	vadd.s32 $0x800, v1;
	[tilespmem:s18+$0xFFFFFEA0] =	vst v15;
	v12 =	vld.idx.msk [tilespmem:v57+s10+$0x0], $0xffff  }
0xd4: {  	v63 =	vadd.s32 $0x800, v2;
	[tilespmem:s18+$0xFFFFFEB0] =	vst v17;
	v16 =	vld.idx.msk [tilespmem:v60+s10+$0x0], $0xffff  }
0xd5: {  	v22 =	vadd.s32 $0xC00, v7;
	[tilespmem:s18+$0xFFFFFED0] =	vst v11;
	v18 =	vld.idx.msk [tilespmem:v61+s10+$0x0], $0xffff  }
0xd6: {  	v25 =	vadd.s32 $0xC00, v5;
	[tilespmem:s18+$0xFFFFFE80] =	vst v13;
	v9 =	vld.idx.msk [tilespmem:v62+s10+$0x0], $0xffff  }
0xd7: {  	v26 =	vadd.s32 $0xC00, v4;
	[tilespmem:s18+$0xFFFFFEE0] =	vst v21;
	v15 =	vld.idx.msk [tilespmem:v23+s10+$0x0], $0xffff  }
0xd8: {  	v28 =	vadd.s32 $0xC00, v3;
	v29 =	vld.idx.msk [tilespmem:v24+s10+$0x0], $0xffff;
	[tilespmem:s18+$0xFFFFFEC0] =	vst v8  }
0xd9: {  	v31 =	vadd.s32 $0xC00, v6;
	v19 =	vld.idx.msk [tilespmem:v63+s10+$0x0], $0xffff;
	[tilespmem:s18+$0xFFFFFF70] =	vst v12  }
0xda: {  	v33 =	vadd.s32 $0xC00, v1;
	[tilespmem:s18+$0xFFFFFF10] =	vst v16;
	v27 =	vld.idx.msk [tilespmem:v22+s10+$0x0], $0xffff  }
0xdb: {  	v8 =	vadd.s32 $0x800, v0;
	[tilespmem:s18+$0xFFFFFF20] =	vst v18;
	v11 =	vld.idx.msk [tilespmem:v25+s10+$0x0], $0xffff  }
0xdc: {  	v32 =	vadd.s32 $0xC00, v2;
	[tilespmem:s18+$0xFFFFFF30] =	vst v9;
	v12 =	vld.idx.msk [tilespmem:v26+s10+$0x0], $0xffff  }
0xdd: {  	v30 =	vadd.s32 $0x1000, v7;
	[tilespmem:s18+$0xFFFFFF00] =	vst v15;
	v14 =	vld.idx.msk [tilespmem:v28+s10+$0x0], $0xffff  }
0xde: {  	v35 =	vadd.s32 $0x1000, v5;
	[tilespmem:s18+$0xFFFFFF50] =	vst v29;
	v17 =	vld.idx.msk [tilespmem:v31+s10+$0x0], $0xffff  }
0xdf: {  	v37 =	vadd.s32 $0x1000, v4;
	v9 =	vld.idx.msk [tilespmem:v33+s10+$0x0], $0xffff;
	[tilespmem:s18+$0xFFFFFF40] =	vst v19  }
0xe0: {  	v39 =	vadd.s32 $0x1000, v6;
	v8 =	vld.idx.msk [tilespmem:v8+s10+$0x0], $0xffff;
	[tilespmem:s18+$0xFFFFFFF0] =	vst v27  }
0xe1: {  	v40 =	vadd.s32 $0x1000, v3;
	v38 =	vld.idx.msk [tilespmem:v32+s10+$0x0], $0xffff;
	[tilespmem:s18+$0xFFFFFF90] =	vst v11  }
0xe2: {  	v43 =	vadd.s32 $0x1000, v1;
	[tilespmem:s18+$0xFFFFFFA0] =	vst v12;
	v36 =	vld.idx.msk [tilespmem:v30+s10+$0x0], $0xffff  }
0xe3: {  	v34 =	vadd.s32 $0xC00, v0;
	[tilespmem:s18+$0xFFFFFFB0] =	vst v14;
	v13 =	vld.idx.msk [tilespmem:v35+s10+$0x0], $0xffff  }
0xe4: {  	v42 =	vadd.s32 $0x1000, v2;
	[tilespmem:s18+$0xFFFFFF80] =	vst v17;
	v16 =	vld.idx.msk [tilespmem:v37+s10+$0x0], $0xffff  }
0xe5: {  	v18 =	vld.idx.msk [tilespmem:v39+s10+$0x0], $0xffff;
	[tilespmem:s18+$0xFFFFFF60] =	vst v8;
	v8 =	vadd.s32 $0x1400, v7  }
0xe6: {  	v45 =	vadd.s32 $0x1400, v5;
	[tilespmem:s18+$0xFFFFFFD0] =	vst v9;
	v46 =	vld.idx.msk [tilespmem:v40+s10+$0x0], $0xffff  }
0xe7: {  	v48 =	vadd.s32 $0x1400, v6;
	v50 =	vld.idx.msk [tilespmem:v43+s10+$0x0], $0xffff;
	[tilespmem:s18+$0xFFFFFFC0] =	vst v38  }
0xe8: {  	v49 =	vadd.s32 $0x1400, v4;
	v41 =	vld.idx.msk [tilespmem:v34+s10+$0x0], $0xffff;
	[tilespmem:s18+$0x70] =	vst v36  }
0xe9: {  	v44 =	vadd.s32 $0x1000, v0;
	v19 =	vld.idx.msk [tilespmem:v42+s10+$0x0], $0xffff;
	[tilespmem:s18+$0x10] =	vst v13  }
0xea: {  	v51 =	vadd.s32 $0x1400, v3;
	[tilespmem:s18+$0x20] =	vst v16;
	v8 =	vld.idx.msk [tilespmem:v8+s10+$0x0], $0xffff  }
0xeb: {  	v47 =	vadd.s32 $0x1800, v7;
	[tilespmem:s18+$0x0] =	vst v18;
	v17 =	vld.idx.msk [tilespmem:v45+s10+$0x0], $0xffff  }
0xec: {  	v52 =	vadd.s32 $0x1400, v2;
	[tilespmem:s18+$0x30] =	vst v46;
	v11 =	vld.idx.msk [tilespmem:v48+s10+$0x0], $0xffff  }
0xed: {  	v55 =	vadd.s32 $0x1800, v6;
	v54 =	vld.idx.msk [tilespmem:v49+s10+$0x0], $0xffff;
	[tilespmem:s18+$0xFFFFFFE0] =	vst v41  }
0xee: {  	v56 =	vadd.s32 $0x1800, v5;
	[tilespmem:s18+$0x50] =	vst v50;
	v15 =	vld.idx.msk [tilespmem:v44+s10+$0x0], $0xffff  }
0xef: {  	v53 =	vadd.s32 $0x1400, v0;
	v14 =	vld.idx.msk [tilespmem:v51+s10+$0x0], $0xffff;
	[tilespmem:s18+$0xF0] =	vst v8  }
0xf0: {  	[tilespmem:s18+$0x40] =	vst v19;
	v8 =	vadd.s32 $0x1400, v1;
	v9 =	vld.idx.msk [tilespmem:v47+s10+$0x0], $0xffff  }
0xf1: {  	v7 =	vadd.s32 $0x1C00, v7;
	v16 =	vld.idx.msk [tilespmem:v52+s10+$0x0], $0xffff;
	[tilespmem:s18+$0x80] =	vst v11  }
0xf2: {  	v57 =	vadd.s32 $0x1800, v4;
	[tilespmem:s18+$0x90] =	vst v17;
	v12 =	vld.idx.msk [tilespmem:v55+s10+$0x0], $0xffff  }
0xf3: {  	v58 =	vadd.s32 $0x1800, v3;
	v13 =	vld.idx.msk [tilespmem:v56+s10+$0x0], $0xffff;
	[tilespmem:s18+$0x60] =	vst v15  }
0xf4: {  	v59 =	vadd.s32 $0x1800, v2;
	[tilespmem:s18+$0xA0] =	vst v54;
	v18 =	vld.idx.msk [tilespmem:v53+s10+$0x0], $0xffff  }
0xf5: {  	v6 =	vadd.s32 $0x1C00, v6;
	v8 =	vld.idx.msk [tilespmem:v8+s10+$0x0], $0xffff;
	[tilespmem:s18+$0x170] =	vst v9  }
0xf6: {  	v60 =	vadd.s32 $0x1800, v1;
	[tilespmem:s18+$0xB0] =	vst v14;
	v7 =	vld.idx.msk [tilespmem:v7+s10+$0x0], $0xffff  }
0xf7: {  	v61 =	vadd.s32 $0x1800, v0;
	v62 =	vld.idx.msk [tilespmem:v57+s10+$0x0], $0xffff;
	[tilespmem:s18+$0xC0] =	vst v16  }
0xf8: {  	v5 =	vadd.s32 $0x1C00, v5;
	v63 =	vld.idx.msk [tilespmem:v58+s10+$0x0], $0xffff;
	[tilespmem:s18+$0x100] =	vst v12  }
0xf9: {  	v3 =	vadd.s32 $0x1C00, v3;
	v9 =	vld.idx.msk [tilespmem:v59+s10+$0x0], $0xffff;
	[tilespmem:s18+$0xE0] =	vst v18  }
0xfa: {  	v12 =	vld.idx.msk [tilespmem:v6+s10+$0x0], $0xffff;
	[tilespmem:s18+$0xD0] =	vst v8;
	v8 =	vadd.s32 $0x1C00, v4  }
0xfb: {  	v11 =	vld.idx.msk [tilespmem:v60+s10+$0x0], $0xffff;
	[tilespmem:s18+$0x1F0] =	vst v7;
	v7 =	vadd.s32 $0x1C00, v2  }
0xfc: {  	v1 =	vadd.s32 $0x1C00, v1;
	[tilespmem:s18+$0x110] =	vst v13;
	v10 =	vld.idx.msk [tilespmem:v61+s10+$0x0], $0xffff  }
0xfd: {  	v0 =	vadd.s32 $0x1C00, v0;
	[tilespmem:s18+$0x130] =	vst v63;
	v4 =	vld.idx.msk [tilespmem:v5+s10+$0x0], $0xffff  }
0xfe: {  	[tilespmem:s18+$0x120] =	vst v62;
	v2 =	vld.idx.msk [tilespmem:v3+s10+$0x0], $0xffff  }
0xff: {  	[tilespmem:s18+$0x140] =	vst v9;
	v5 =	vld.idx.msk [tilespmem:v8+s10+$0x0], $0xffff  }
0x100: {  	[tilespmem:s18+$0x150] =	vst v11;
	v6 =	vld.idx.msk [tilespmem:v7+s10+$0x0], $0xffff  }
0x101: {  	[tilespmem:s18+$0x160] =	vst v10;
	v3 =	vld.idx.msk [tilespmem:v1+s10+$0x0], $0xffff  }
0x102: {  	s20 =	simm.s32 $0x4F0;
	s19 =	simm.s32 $0x0;
	[tilespmem:s18+$0x180] =	vst v12;
	v1 =	vld.idx.msk [tilespmem:v0+s10+$0x0], $0xffff  }
.LBB2_6:
0x103: {  	v0 =	vld [tilespmem:s20+$0x0];
	s19 =	sadd.s32 $0x8, s19;
	[tilespmem:s18+$0x190] =	vst v4  }
0x104: {  	v7 =	vld [tilespmem:s20+$0xFFFFFFA0];
	p0 =	slt.u32 s19, $0x38;
	[tilespmem:s18+$0x1A0] =	vst v5  }
0x105: {  	v5 =	vld [tilespmem:s20+$0xFFFFFFB0];
	[tilespmem:s18+$0x1B0] =	vst v2  }
0x106: {  	v2 =	vld [tilespmem:s20+$0xFFFFFFC0];
	[tilespmem:s18+$0x1C0] =	vst v6  }
0x107: {  	v6 =	vld [tilespmem:s20+$0xFFFFFFD0];
	[tilespmem:s18+$0x1D0] =	vst v3  }
0x108: {  	v3 =	vld [tilespmem:s20+$0xFFFFFFE0];
	[tilespmem:s18+$0x1E0] =	vst v1  }
0x109: {  	v1 =	vadd.s32 $0x400, v7;
	v21 =	vadd.s32 $0x800, v7;
	v22 =	vadd.s32 $0xC00, v7;
	v23 =	vld [tilespmem:s20+$0xFFFFFFF0]  }
0x10a: {  	v4 =	vld [tilespmem:s20+$0xFFFFFF90];
	v8 =	vadd.s32 $0x400, v5;
	v24 =	vadd.s32 $0x800, v5;
	v25 =	vadd.s32 $0xC00, v5  }
0x10b: {  	v9 =	vadd.s32 $0x400, v2;
	v26 =	vadd.s32 $0x800, v2;
	v27 =	vadd.s32 $0xC00, v2;
	v10 =	vld.idx.msk [tilespmem:v0+s10+$0x0], $0xffff  }
0x10c: {  	v11 =	vld.idx.msk [tilespmem:v7+s10+$0x0], $0xffff;
	v12 =	vadd.s32 $0x400, v6;
	v28 =	vadd.s32 $0x800, v6;
	v29 =	vadd.s32 $0xC00, v6  }
0x10d: {  	v14 =	vadd.s32 $0x400, v0;
	v13 =	vld.idx.msk [tilespmem:v5+s10+$0x0], $0xffff;
	v30 =	vadd.s32 $0x400, v3;
	v31 =	vadd.s32 $0x800, v3  }
0x10e: {  	v32 =	vadd.s32 $0xC00, v3;
	v16 =	vld.idx.msk [tilespmem:v2+s10+$0x0], $0xffff;
	v33 =	vadd.s32 $0x400, v23;
	v34 =	vadd.s32 $0x800, v23  }
0x10f: {  	v35 =	vadd.s32 $0x400, v4;
	v36 =	vadd.s32 $0x800, v4;
	v37 =	vadd.s32 $0xC00, v4;
	v20 =	vld.idx.msk [tilespmem:v6+s10+$0x0], $0xffff  }
0x110: {  	s18 =	sadd.s32 $0x400, s18;
	v39 =	vadd.s32 $0x1000, v7;
	v41 =	vadd.s32 $0xC00, v23;
	v38 =	vadd.s32 $0x1000, v4;
	v40 =	vld.idx.msk [tilespmem:v3+s10+$0x0], $0xffff  }
0x111: {  	v42 =	vadd.s32 $0x1000, v5;
	v43 =	vadd.s32 $0x1000, v2;
	v44 =	vadd.s32 $0x1000, v6;
	v45 =	vld.idx.msk [tilespmem:v23+s10+$0x0], $0xffff;
	[tilespmem:s18+$0xFFFFFE70] =	vst v10  }
0x112: {  	v46 =	vadd.s32 $0x1000, v3;
	v47 =	vadd.s32 $0x1000, v23;
	v15 =	vadd.s32 $0x1400, v4;
	[tilespmem:s18+$0xFFFFFE10] =	vst v11;
	v48 =	vld.idx.msk [tilespmem:v14+s10+$0x0], $0xffff  }
0x113: {  	v50 =	vadd.s32 $0x1400, v7;
	v19 =	vadd.s32 $0x1400, v5;
	v17 =	vadd.s32 $0x1400, v2;
	v49 =	vld.idx.msk [tilespmem:v4+s10+$0x0], $0xffff;
	[tilespmem:s18+$0xFFFFFE20] =	vst v13  }
0x114: {  	v52 =	vadd.s32 $0x800, v0;
	v18 =	vadd.s32 $0x1400, v6;
	v51 =	vld.idx.msk [tilespmem:v1+s10+$0x0], $0xffff;
	[tilespmem:s18+$0xFFFFFE30] =	vst v16;
	v16 =	vadd.s32 $0x1400, v3  }
0x115: {  	v10 =	vadd.s32 $0x1800, v7;
	v13 =	vadd.s32 $0x1800, v4;
	v53 =	vld.idx.msk [tilespmem:v8+s10+$0x0], $0xffff;
	[tilespmem:s18+$0xFFFFFE40] =	vst v20;
	v20 =	vadd.s32 $0x1400, v23  }
0x116: {  	v14 =	vadd.s32 $0x1800, v5;
	v11 =	vadd.s32 $0x1800, v2;
	v8 =	vadd.s32 $0x1800, v6;
	v54 =	vld.idx.msk [tilespmem:v9+s10+$0x0], $0xffff;
	[tilespmem:s18+$0xFFFFFE50] =	vst v40  }
0x117: {  	v4 =	vadd.s32 $0x1C00, v4;
	v9 =	vadd.s32 $0x1800, v23;
	v40 =	vld.idx.msk [tilespmem:v12+s10+$0x0], $0xffff;
	v12 =	vadd.s32 $0x1800, v3;
	[tilespmem:s18+$0xFFFFFE60] =	vst v45  }
0x118: {  	v7 =	vadd.s32 $0x1C00, v7;
	v5 =	vadd.s32 $0x1C00, v5;
	v2 =	vadd.s32 $0x1C00, v2;
	v30 =	vld.idx.msk [tilespmem:v30+s10+$0x0], $0xffff;
	[tilespmem:s18+$0xFFFFFEF0] =	vst v48  }
0x119: {  	v1 =	vadd.s32 $0x1C00, v23;
	v6 =	vadd.s32 $0x1C00, v6;
	v3 =	vadd.s32 $0x1C00, v3;
	[tilespmem:s18+$0xFFFFFE00] =	vst v49;
	v23 =	vld.idx.msk [tilespmem:v52+s10+$0x0], $0xffff  }
0x11a: {  	v35 =	vld.idx.msk [tilespmem:v35+s10+$0x0], $0xffff;
	[tilespmem:s18+$0xFFFFFE90] =	vst v51  }
0x11b: {  	v45 =	vadd.s32 $0xC00, v0;
	[tilespmem:s18+$0xFFFFFEA0] =	vst v53;
	v33 =	vld.idx.msk [tilespmem:v33+s10+$0x0], $0xffff  }
0x11c: {  	v21 =	vld.idx.msk [tilespmem:v21+s10+$0x0], $0xffff;
	[tilespmem:s18+$0xFFFFFEB0] =	vst v54  }
0x11d: {  	v24 =	vld.idx.msk [tilespmem:v24+s10+$0x0], $0xffff;
	[tilespmem:s18+$0xFFFFFEC0] =	vst v40  }
0x11e: {  	v26 =	vld.idx.msk [tilespmem:v26+s10+$0x0], $0xffff;
	[tilespmem:s18+$0xFFFFFED0] =	vst v30  }
0x11f: {  	v28 =	vld.idx.msk [tilespmem:v28+s10+$0x0], $0xffff;
	[tilespmem:s18+$0xFFFFFF70] =	vst v23  }
0x120: {  	[tilespmem:s18+$0xFFFFFE80] =	vst v35;
	v23 =	vld.idx.msk [tilespmem:v45+s10+$0x0], $0xffff  }
0x121: {  	v30 =	vld.idx.msk [tilespmem:v36+s10+$0x0], $0xffff;
	[tilespmem:s18+$0xFFFFFEE0] =	vst v33  }
0x122: {  	[tilespmem:s18+$0xFFFFFF10] =	vst v21;
	v21 =	vld.idx.msk [tilespmem:v31+s10+$0x0], $0xffff;
	v31 =	vadd.s32 $0x1000, v0  }
0x123: {  	[tilespmem:s18+$0xFFFFFF20] =	vst v24;
	v24 =	vld.idx.msk [tilespmem:v34+s10+$0x0], $0xffff  }
0x124: {  	v22 =	vld.idx.msk [tilespmem:v22+s10+$0x0], $0xffff;
	[tilespmem:s18+$0xFFFFFF30] =	vst v26  }
0x125: {  	v25 =	vld.idx.msk [tilespmem:v25+s10+$0x0], $0xffff;
	[tilespmem:s18+$0xFFFFFF40] =	vst v28  }
0x126: {  	v26 =	vld.idx.msk [tilespmem:v27+s10+$0x0], $0xffff;
	[tilespmem:s18+$0xFFFFFFF0] =	vst v23  }
0x127: {  	[tilespmem:s18+$0xFFFFFF00] =	vst v30;
	v23 =	vld.idx.msk [tilespmem:v31+s10+$0x0], $0xffff  }
0x128: {  	v27 =	vld.idx.msk [tilespmem:v37+s10+$0x0], $0xffff;
	[tilespmem:s18+$0xFFFFFF50] =	vst v21  }
0x129: {  	v21 =	vld.idx.msk [tilespmem:v29+s10+$0x0], $0xffff;
	[tilespmem:s18+$0xFFFFFF60] =	vst v24;
	v24 =	vadd.s32 $0x1400, v0  }
0x12a: {  	[tilespmem:s18+$0xFFFFFF90] =	vst v22;
	v22 =	vld.idx.msk [tilespmem:v32+s10+$0x0], $0xffff  }
0x12b: {  	[tilespmem:s18+$0xFFFFFFA0] =	vst v25;
	v25 =	vld.idx.msk [tilespmem:v41+s10+$0x0], $0xffff  }
0x12c: {  	v28 =	vld.idx.msk [tilespmem:v39+s10+$0x0], $0xffff;
	[tilespmem:s18+$0xFFFFFFB0] =	vst v26  }
0x12d: {  	v26 =	vld.idx.msk [tilespmem:v42+s10+$0x0], $0xffff;
	[tilespmem:s18+$0x70] =	vst v23  }
0x12e: {  	[tilespmem:s18+$0xFFFFFF80] =	vst v27;
	v23 =	vld.idx.msk [tilespmem:v24+s10+$0x0], $0xffff  }
0x12f: {  	v24 =	vld.idx.msk [tilespmem:v38+s10+$0x0], $0xffff;
	[tilespmem:s18+$0xFFFFFFC0] =	vst v21  }
0x130: {  	v21 =	vld.idx.msk [tilespmem:v43+s10+$0x0], $0xffff;
	[tilespmem:s18+$0xFFFFFFD0] =	vst v22;
	v22 =	vadd.s32 $0x1800, v0  }
0x131: {  	v27 =	vld.idx.msk [tilespmem:v44+s10+$0x0], $0xffff;
	[tilespmem:s18+$0xFFFFFFE0] =	vst v25  }
0x132: {  	[tilespmem:s18+$0x10] =	vst v28;
	v25 =	vld.idx.msk [tilespmem:v46+s10+$0x0], $0xffff  }
0x133: {  	[tilespmem:s18+$0x20] =	vst v26;
	v26 =	vld.idx.msk [tilespmem:v47+s10+$0x0], $0xffff  }
0x134: {  	v28 =	vld.idx.msk [tilespmem:v50+s10+$0x0], $0xffff;
	[tilespmem:s18+$0xF0] =	vst v23  }
0x135: {  	[tilespmem:s18+$0x0] =	vst v24;
	v22 =	vld.idx.msk [tilespmem:v22+s10+$0x0], $0xffff  }
0x136: {  	v15 =	vld.idx.msk [tilespmem:v15+s10+$0x0], $0xffff;
	[tilespmem:s18+$0x30] =	vst v21  }
0x137: {  	v0 =	vadd.s32 $0x1C00, v0;
	v19 =	vld.idx.msk [tilespmem:v19+s10+$0x0], $0xffff;
	[tilespmem:s18+$0x40] =	vst v27  }
0x138: {  	v17 =	vld.idx.msk [tilespmem:v17+s10+$0x0], $0xffff;
	[tilespmem:s18+$0x50] =	vst v25  }
0x139: {  	v18 =	vld.idx.msk [tilespmem:v18+s10+$0x0], $0xffff;
	[tilespmem:s18+$0x60] =	vst v26  }
0x13a: {  	[tilespmem:s18+$0x90] =	vst v28;
	v16 =	vld.idx.msk [tilespmem:v16+s10+$0x0], $0xffff  }
0x13b: {  	v20 =	vld.idx.msk [tilespmem:v20+s10+$0x0], $0xffff;
	[tilespmem:s18+$0x170] =	vst v22  }
0x13c: {  	[tilespmem:s18+$0x80] =	vst v15;
	v0 =	vld.idx.msk [tilespmem:v0+s10+$0x0], $0xffff  }
0x13d: {  	v13 =	vld.idx.msk [tilespmem:v13+s10+$0x0], $0xffff;
	[tilespmem:s18+$0xA0] =	vst v19  }
0x13e: {  	v10 =	vld.idx.msk [tilespmem:v10+s10+$0x0], $0xffff;
	[tilespmem:s18+$0xB0] =	vst v17  }
0x13f: {  	v14 =	vld.idx.msk [tilespmem:v14+s10+$0x0], $0xffff;
	[tilespmem:s18+$0xC0] =	vst v18  }
0x140: {  	v11 =	vld.idx.msk [tilespmem:v11+s10+$0x0], $0xffff;
	[tilespmem:s18+$0xD0] =	vst v16  }
0x141: {  	v8 =	vld.idx.msk [tilespmem:v8+s10+$0x0], $0xffff;
	[tilespmem:s18+$0xE0] =	vst v20  }
0x142: {  	v12 =	vld.idx.msk [tilespmem:v12+s10+$0x0], $0xffff;
	[tilespmem:s18+$0x1F0] =	vst v0  }
0x143: {  	[tilespmem:s18+$0x100] =	vst v13;
	v0 =	vld.idx.msk [tilespmem:v9+s10+$0x0], $0xffff  }
0x144: {  	v9 =	vld.idx.msk [tilespmem:v4+s10+$0x0], $0xffff;
	[tilespmem:s18+$0x110] =	vst v10  }
0x145: {  	v4 =	vld.idx.msk [tilespmem:v7+s10+$0x0], $0xffff;
	[tilespmem:s18+$0x120] =	vst v14  }
.Ltmp6:
0x146: {  	v5 =	vld.idx.msk [tilespmem:v5+s10+$0x0], $0xffff;
	[tilespmem:s18+$0x130] =	vst v11;
	(pc) =	sbr.rel @p0 .LBB2_6-.Ltmp6, $4  }
0x147: {  	v2 =	vld.idx.msk [tilespmem:v2+s10+$0x0], $0xffff;
	[tilespmem:s18+$0x140] =	vst v8  }
0x148: {  	v6 =	vld.idx.msk [tilespmem:v6+s10+$0x0], $0xffff;
	[tilespmem:s18+$0x150] =	vst v12  }
0x149: {  	v3 =	vld.idx.msk [tilespmem:v3+s10+$0x0], $0xffff;
	[tilespmem:s18+$0x160] =	vst v0  }
0x14a: {  	s20 =	sadd.s32 $0x400, s20;
	[tilespmem:s18+$0x180] =	vst v9;
	v1 =	vld.idx.msk [tilespmem:v1+s10+$0x0], $0xffff  }
0x14b: {  	[tilespmem:s18+$0x190] =	vst v4  }
0x14c: {  	[tilespmem:s18+$0x1A0] =	vst v5  }
0x14d: {  	s17 =	sshll.u32 s17, $0xD;
	[tilespmem:s18+$0x1B0] =	vst v2  }
0x14e: {  	s19 =	sshrl.u32 s17, $0x3;
	[tilespmem:s18+$0x1C0] =	vst v6  }
0x14f: {  	s20 =	simm.s32 $0x2;
	s21 =	simm.s32 $0x1;
	s19 =	sadd.s32 s2, s19;
	[tilespmem:s18+$0x1D0] =	vst v3  }
0x150: {  	s31 =	sadd.s32 $0x1F400, s19;
	s19 =	simm.s32 $0x800;
	[tilespmem:s18+$0x1E0] =	vst v1;
	s18 =	simm.s32 $0x1  }
0x151: {  	[hbm4b:s31+s3] =	stream.linear.scatter [tilespmem:s12], [sflag:$0x2], $0x2000, $0x38;
	[tilespmem:$0x14000] =	vst v63  }
.LBB2_8:
0x152: {  	s22 =	sshll.u32 s19, $0x2;
	s23 =	sand.u32 $0x3, s18  }
0x153: {  	s22 =	sand.u32 $0xFFFF8000, s22;
	s23 =	sshll.u32 s23, $0xA  }
0x154: {  	_ =	swait.ge [sflag:s13], $0x2000;
	s23 =	sor.u32 s23, s22  }
0x155: {  	[sflag:s13] =	ssyncset.done $0x0;
	s23 =	sshrl.u32 s23, $0x2  }
0x156: {  	[sflag:s13] =	ssyncadd.s32 $0xFFFFE000;
	s26 =	sor.u32 $0x40, s23  }
0x157: {  	v7 =	vld [tilespmem:s26+$0x30]  }
0x158: {  	v5 =	vld [tilespmem:s26+$0xFFFFFFD0]  }
0x159: {  	v4 =	vld [tilespmem:s26+$0xFFFFFFE0]  }
0x15a: {  	v3 =	vld [tilespmem:s26+$0xFFFFFFF0]  }
0x15b: {  	v2 =	vld [tilespmem:s26+$0x0]  }
0x15c: {  	v1 =	vld [tilespmem:s26+$0x10]  }
0x15d: {  	v0 =	vld [tilespmem:s26+$0x20]  }
0x15e: {  	v6 =	vld [tilespmem:s26+$0xFFFFFFC0]  }
0x15f: {  	v8 =	vld.idx.msk [tilespmem:v7+s10+$0x0], $0xffff  }
0x160: {  	v9 =	vld.idx.msk [tilespmem:v5+s10+$0x0], $0xffff  }
0x161: {  	v10 =	vld.idx.msk [tilespmem:v4+s10+$0x0], $0xffff  }
0x162: {  	v11 =	vadd.s32 $0x400, v7;
	v12 =	vld.idx.msk [tilespmem:v3+s10+$0x0], $0xffff  }
0x163: {  	v13 =	vadd.s32 $0x400, v5;
	v14 =	vld.idx.msk [tilespmem:v2+s10+$0x0], $0xffff  }
0x164: {  	s23 =	simm.s32 $0x10200;
	v15 =	vadd.s32 $0x400, v4;
	v16 =	vld.idx.msk [tilespmem:v1+s10+$0x0], $0xffff  }
0x165: {  	v17 =	vadd.s32 $0x400, v3;
	v18 =	vld.idx.msk [tilespmem:v0+s10+$0x0], $0xffff;
	[tilespmem:s23+$0xFFFFFE70] =	vst v8  }
0x166: {  	v55 =	vadd.s32 $0x400, v1;
	v19 =	vld.idx.msk [tilespmem:v6+s10+$0x0], $0xffff;
	[tilespmem:s23+$0xFFFFFE10] =	vst v9  }
0x167: {  	v58 =	vadd.s32 $0x400, v6;
	[tilespmem:s23+$0xFFFFFE20] =	vst v10;
	v54 =	vld.idx.msk [tilespmem:v11+s10+$0x0], $0xffff  }
0x168: {  	v59 =	vadd.s32 $0x400, v0;
	[tilespmem:s23+$0xFFFFFE30] =	vst v12;
	v56 =	vld.idx.msk [tilespmem:v13+s10+$0x0], $0xffff  }
0x169: {  	v8 =	vadd.s32 $0x400, v2;
	[tilespmem:s23+$0xFFFFFE40] =	vst v14;
	v15 =	vld.idx.msk [tilespmem:v15+s10+$0x0], $0xffff  }
0x16a: {  	v57 =	vadd.s32 $0x800, v7;
	[tilespmem:s23+$0xFFFFFE50] =	vst v16;
	v17 =	vld.idx.msk [tilespmem:v17+s10+$0x0], $0xffff  }
0x16b: {  	v60 =	vadd.s32 $0x800, v5;
	[tilespmem:s23+$0xFFFFFE00] =	vst v19;
	v11 =	vld.idx.msk [tilespmem:v55+s10+$0x0], $0xffff  }
0x16c: {  	v61 =	vadd.s32 $0x800, v4;
	[tilespmem:s23+$0xFFFFFE60] =	vst v18;
	v13 =	vld.idx.msk [tilespmem:v58+s10+$0x0], $0xffff  }
0x16d: {  	v62 =	vadd.s32 $0x800, v3;
	v21 =	vld.idx.msk [tilespmem:v59+s10+$0x0], $0xffff;
	[tilespmem:s23+$0xFFFFFEF0] =	vst v54  }
0x16e: {  	v23 =	vadd.s32 $0x800, v6;
	v8 =	vld.idx.msk [tilespmem:v8+s10+$0x0], $0xffff;
	[tilespmem:s23+$0xFFFFFE90] =	vst v56  }
0x16f: {  	v24 =	vadd.s32 $0x800, v1;
	[tilespmem:s23+$0xFFFFFEA0] =	vst v15;
	v12 =	vld.idx.msk [tilespmem:v57+s10+$0x0], $0xffff  }
0x170: {  	v63 =	vadd.s32 $0x800, v2;
	[tilespmem:s23+$0xFFFFFEB0] =	vst v17;
	v16 =	vld.idx.msk [tilespmem:v60+s10+$0x0], $0xffff  }
0x171: {  	v22 =	vadd.s32 $0xC00, v7;
	[tilespmem:s23+$0xFFFFFED0] =	vst v11;
	v18 =	vld.idx.msk [tilespmem:v61+s10+$0x0], $0xffff  }
0x172: {  	v25 =	vadd.s32 $0xC00, v5;
	[tilespmem:s23+$0xFFFFFE80] =	vst v13;
	v9 =	vld.idx.msk [tilespmem:v62+s10+$0x0], $0xffff  }
0x173: {  	v26 =	vadd.s32 $0xC00, v4;
	[tilespmem:s23+$0xFFFFFEE0] =	vst v21;
	v15 =	vld.idx.msk [tilespmem:v23+s10+$0x0], $0xffff  }
0x174: {  	v28 =	vadd.s32 $0xC00, v3;
	v29 =	vld.idx.msk [tilespmem:v24+s10+$0x0], $0xffff;
	[tilespmem:s23+$0xFFFFFEC0] =	vst v8  }
0x175: {  	v31 =	vadd.s32 $0xC00, v6;
	v19 =	vld.idx.msk [tilespmem:v63+s10+$0x0], $0xffff;
	[tilespmem:s23+$0xFFFFFF70] =	vst v12  }
0x176: {  	v33 =	vadd.s32 $0xC00, v1;
	[tilespmem:s23+$0xFFFFFF10] =	vst v16;
	v27 =	vld.idx.msk [tilespmem:v22+s10+$0x0], $0xffff  }
0x177: {  	v8 =	vadd.s32 $0x800, v0;
	[tilespmem:s23+$0xFFFFFF20] =	vst v18;
	v11 =	vld.idx.msk [tilespmem:v25+s10+$0x0], $0xffff  }
0x178: {  	v32 =	vadd.s32 $0xC00, v2;
	[tilespmem:s23+$0xFFFFFF30] =	vst v9;
	v12 =	vld.idx.msk [tilespmem:v26+s10+$0x0], $0xffff  }
0x179: {  	v30 =	vadd.s32 $0x1000, v7;
	[tilespmem:s23+$0xFFFFFF00] =	vst v15;
	v14 =	vld.idx.msk [tilespmem:v28+s10+$0x0], $0xffff  }
0x17a: {  	v35 =	vadd.s32 $0x1000, v5;
	[tilespmem:s23+$0xFFFFFF50] =	vst v29;
	v17 =	vld.idx.msk [tilespmem:v31+s10+$0x0], $0xffff  }
0x17b: {  	v37 =	vadd.s32 $0x1000, v4;
	v9 =	vld.idx.msk [tilespmem:v33+s10+$0x0], $0xffff;
	[tilespmem:s23+$0xFFFFFF40] =	vst v19  }
0x17c: {  	v39 =	vadd.s32 $0x1000, v6;
	v8 =	vld.idx.msk [tilespmem:v8+s10+$0x0], $0xffff;
	[tilespmem:s23+$0xFFFFFFF0] =	vst v27  }
0x17d: {  	v40 =	vadd.s32 $0x1000, v3;
	v38 =	vld.idx.msk [tilespmem:v32+s10+$0x0], $0xffff;
	[tilespmem:s23+$0xFFFFFF90] =	vst v11  }
0x17e: {  	v43 =	vadd.s32 $0x1000, v1;
	[tilespmem:s23+$0xFFFFFFA0] =	vst v12;
	v36 =	vld.idx.msk [tilespmem:v30+s10+$0x0], $0xffff  }
0x17f: {  	v34 =	vadd.s32 $0xC00, v0;
	[tilespmem:s23+$0xFFFFFFB0] =	vst v14;
	v13 =	vld.idx.msk [tilespmem:v35+s10+$0x0], $0xffff  }
0x180: {  	v42 =	vadd.s32 $0x1000, v2;
	[tilespmem:s23+$0xFFFFFF80] =	vst v17;
	v16 =	vld.idx.msk [tilespmem:v37+s10+$0x0], $0xffff  }
0x181: {  	v18 =	vld.idx.msk [tilespmem:v39+s10+$0x0], $0xffff;
	[tilespmem:s23+$0xFFFFFF60] =	vst v8;
	v8 =	vadd.s32 $0x1400, v7  }
0x182: {  	v45 =	vadd.s32 $0x1400, v5;
	[tilespmem:s23+$0xFFFFFFD0] =	vst v9;
	v46 =	vld.idx.msk [tilespmem:v40+s10+$0x0], $0xffff  }
0x183: {  	v48 =	vadd.s32 $0x1400, v6;
	v50 =	vld.idx.msk [tilespmem:v43+s10+$0x0], $0xffff;
	[tilespmem:s23+$0xFFFFFFC0] =	vst v38  }
0x184: {  	v49 =	vadd.s32 $0x1400, v4;
	v41 =	vld.idx.msk [tilespmem:v34+s10+$0x0], $0xffff;
	[tilespmem:s23+$0x70] =	vst v36  }
0x185: {  	v44 =	vadd.s32 $0x1000, v0;
	v19 =	vld.idx.msk [tilespmem:v42+s10+$0x0], $0xffff;
	[tilespmem:s23+$0x10] =	vst v13  }
0x186: {  	v51 =	vadd.s32 $0x1400, v3;
	[tilespmem:s23+$0x20] =	vst v16;
	v8 =	vld.idx.msk [tilespmem:v8+s10+$0x0], $0xffff  }
0x187: {  	v47 =	vadd.s32 $0x1800, v7;
	[tilespmem:s23+$0x0] =	vst v18;
	v17 =	vld.idx.msk [tilespmem:v45+s10+$0x0], $0xffff  }
0x188: {  	v52 =	vadd.s32 $0x1400, v2;
	[tilespmem:s23+$0x30] =	vst v46;
	v11 =	vld.idx.msk [tilespmem:v48+s10+$0x0], $0xffff  }
0x189: {  	v55 =	vadd.s32 $0x1800, v6;
	v54 =	vld.idx.msk [tilespmem:v49+s10+$0x0], $0xffff;
	[tilespmem:s23+$0xFFFFFFE0] =	vst v41  }
0x18a: {  	v56 =	vadd.s32 $0x1800, v5;
	[tilespmem:s23+$0x50] =	vst v50;
	v15 =	vld.idx.msk [tilespmem:v44+s10+$0x0], $0xffff  }
0x18b: {  	v53 =	vadd.s32 $0x1400, v0;
	v14 =	vld.idx.msk [tilespmem:v51+s10+$0x0], $0xffff;
	[tilespmem:s23+$0xF0] =	vst v8  }
0x18c: {  	[tilespmem:s23+$0x40] =	vst v19;
	v8 =	vadd.s32 $0x1400, v1;
	v9 =	vld.idx.msk [tilespmem:v47+s10+$0x0], $0xffff  }
0x18d: {  	v7 =	vadd.s32 $0x1C00, v7;
	v16 =	vld.idx.msk [tilespmem:v52+s10+$0x0], $0xffff;
	[tilespmem:s23+$0x80] =	vst v11  }
0x18e: {  	v57 =	vadd.s32 $0x1800, v4;
	[tilespmem:s23+$0x90] =	vst v17;
	v12 =	vld.idx.msk [tilespmem:v55+s10+$0x0], $0xffff  }
0x18f: {  	v58 =	vadd.s32 $0x1800, v3;
	v13 =	vld.idx.msk [tilespmem:v56+s10+$0x0], $0xffff;
	[tilespmem:s23+$0x60] =	vst v15  }
0x190: {  	v59 =	vadd.s32 $0x1800, v2;
	[tilespmem:s23+$0xA0] =	vst v54;
	v18 =	vld.idx.msk [tilespmem:v53+s10+$0x0], $0xffff  }
0x191: {  	v6 =	vadd.s32 $0x1C00, v6;
	v8 =	vld.idx.msk [tilespmem:v8+s10+$0x0], $0xffff;
	[tilespmem:s23+$0x170] =	vst v9  }
0x192: {  	v60 =	vadd.s32 $0x1800, v1;
	[tilespmem:s23+$0xB0] =	vst v14;
	v7 =	vld.idx.msk [tilespmem:v7+s10+$0x0], $0xffff  }
0x193: {  	v61 =	vadd.s32 $0x1800, v0;
	v62 =	vld.idx.msk [tilespmem:v57+s10+$0x0], $0xffff;
	[tilespmem:s23+$0xC0] =	vst v16  }
0x194: {  	v5 =	vadd.s32 $0x1C00, v5;
	v63 =	vld.idx.msk [tilespmem:v58+s10+$0x0], $0xffff;
	[tilespmem:s23+$0x100] =	vst v12  }
0x195: {  	v3 =	vadd.s32 $0x1C00, v3;
	v9 =	vld.idx.msk [tilespmem:v59+s10+$0x0], $0xffff;
	[tilespmem:s23+$0xE0] =	vst v18  }
0x196: {  	v12 =	vld.idx.msk [tilespmem:v6+s10+$0x0], $0xffff;
	[tilespmem:s23+$0xD0] =	vst v8;
	v8 =	vadd.s32 $0x1C00, v4  }
0x197: {  	v11 =	vld.idx.msk [tilespmem:v60+s10+$0x0], $0xffff;
	[tilespmem:s23+$0x1F0] =	vst v7;
	v7 =	vadd.s32 $0x1C00, v2  }
0x198: {  	v1 =	vadd.s32 $0x1C00, v1;
	[tilespmem:s23+$0x110] =	vst v13;
	v10 =	vld.idx.msk [tilespmem:v61+s10+$0x0], $0xffff  }
0x199: {  	v0 =	vadd.s32 $0x1C00, v0;
	[tilespmem:s23+$0x130] =	vst v63;
	v4 =	vld.idx.msk [tilespmem:v5+s10+$0x0], $0xffff  }
0x19a: {  	s24 =	sand.u32 $0x7, s20;
	s25 =	smul.u32 $0x1F4000, s21;
	[tilespmem:s23+$0x120] =	vst v62;
	v2 =	vld.idx.msk [tilespmem:v3+s10+$0x0], $0xffff  }
0x19b: {  	s24 =	sshll.u32 s24, $0x9;
	[tilespmem:s23+$0x140] =	vst v9;
	v5 =	vld.idx.msk [tilespmem:v8+s10+$0x0], $0xffff  }
0x19c: {  	s22 =	sor.u32 s24, s22;
	s31 =	sadd.s32 s17, s25;
	[tilespmem:s23+$0x150] =	vst v11;
	v6 =	vld.idx.msk [tilespmem:v7+s10+$0x0], $0xffff  }
0x19d: {  	s25 =	simm.s32 $0x0;
	s22 =	sshrl.u32 s22, $0x2;
	s24 =	sshrl.u32 s31, $0x3;
	[tilespmem:s23+$0x160] =	vst v10;
	v3 =	vld.idx.msk [tilespmem:v1+s10+$0x0], $0xffff  }
0x19e: {  	s22 =	sadd.s32 $0xF0, s22;
	s24 =	sadd.s32 s2, s24;
	s26 =	sadd.s32 $0x400, s26;
	[tilespmem:s23+$0x180] =	vst v12;
	v1 =	vld.idx.msk [tilespmem:v0+s10+$0x0], $0xffff  }
.LBB2_9:
0x19f: {  	v0 =	vld [tilespmem:s26+$0x30];
	s25 =	sadd.s32 $0x8, s25;
	[tilespmem:s23+$0x190] =	vst v4  }
0x1a0: {  	v7 =	vld [tilespmem:s26+$0xFFFFFFD0];
	p0 =	slt.u32 s25, $0x38;
	[tilespmem:s23+$0x1A0] =	vst v5  }
0x1a1: {  	v5 =	vld [tilespmem:s26+$0xFFFFFFE0];
	[tilespmem:s23+$0x1B0] =	vst v2  }
0x1a2: {  	v2 =	vld [tilespmem:s26+$0xFFFFFFF0];
	[tilespmem:s23+$0x1C0] =	vst v6  }
0x1a3: {  	v6 =	vld [tilespmem:s26+$0x0];
	[tilespmem:s23+$0x1D0] =	vst v3  }
0x1a4: {  	v3 =	vld [tilespmem:s26+$0x10];
	[tilespmem:s23+$0x1E0] =	vst v1  }
0x1a5: {  	v1 =	vadd.s32 $0x400, v7;
	v21 =	vadd.s32 $0x800, v7;
	v22 =	vadd.s32 $0xC00, v7;
	v23 =	vld [tilespmem:s26+$0x20]  }
0x1a6: {  	v4 =	vld [tilespmem:s26+$0xFFFFFFC0];
	v8 =	vadd.s32 $0x400, v5;
	v24 =	vadd.s32 $0x800, v5;
	v25 =	vadd.s32 $0xC00, v5  }
0x1a7: {  	v9 =	vadd.s32 $0x400, v2;
	v26 =	vadd.s32 $0x800, v2;
	v27 =	vadd.s32 $0xC00, v2;
	v10 =	vld.idx.msk [tilespmem:v0+s10+$0x0], $0xffff  }
0x1a8: {  	v11 =	vld.idx.msk [tilespmem:v7+s10+$0x0], $0xffff;
	v12 =	vadd.s32 $0x400, v6;
	v28 =	vadd.s32 $0x800, v6;
	v29 =	vadd.s32 $0xC00, v6  }
0x1a9: {  	v14 =	vadd.s32 $0x400, v0;
	v13 =	vld.idx.msk [tilespmem:v5+s10+$0x0], $0xffff;
	v30 =	vadd.s32 $0x400, v3;
	v31 =	vadd.s32 $0x800, v3  }
0x1aa: {  	v32 =	vadd.s32 $0xC00, v3;
	v16 =	vld.idx.msk [tilespmem:v2+s10+$0x0], $0xffff;
	v33 =	vadd.s32 $0x400, v23;
	v34 =	vadd.s32 $0x800, v23  }
0x1ab: {  	v35 =	vadd.s32 $0x400, v4;
	v36 =	vadd.s32 $0x800, v4;
	v37 =	vadd.s32 $0xC00, v4;
	v20 =	vld.idx.msk [tilespmem:v6+s10+$0x0], $0xffff  }
0x1ac: {  	s23 =	sadd.s32 $0x400, s23;
	v39 =	vadd.s32 $0x1000, v7;
	v41 =	vadd.s32 $0xC00, v23;
	v38 =	vadd.s32 $0x1000, v4;
	v40 =	vld.idx.msk [tilespmem:v3+s10+$0x0], $0xffff  }
0x1ad: {  	v42 =	vadd.s32 $0x1000, v5;
	v43 =	vadd.s32 $0x1000, v2;
	v44 =	vadd.s32 $0x1000, v6;
	v45 =	vld.idx.msk [tilespmem:v23+s10+$0x0], $0xffff;
	[tilespmem:s23+$0xFFFFFE70] =	vst v10  }
0x1ae: {  	v46 =	vadd.s32 $0x1000, v3;
	v47 =	vadd.s32 $0x1000, v23;
	v15 =	vadd.s32 $0x1400, v4;
	[tilespmem:s23+$0xFFFFFE10] =	vst v11;
	v48 =	vld.idx.msk [tilespmem:v14+s10+$0x0], $0xffff  }
0x1af: {  	v50 =	vadd.s32 $0x1400, v7;
	v19 =	vadd.s32 $0x1400, v5;
	v17 =	vadd.s32 $0x1400, v2;
	v49 =	vld.idx.msk [tilespmem:v4+s10+$0x0], $0xffff;
	[tilespmem:s23+$0xFFFFFE20] =	vst v13  }
0x1b0: {  	v52 =	vadd.s32 $0x800, v0;
	v18 =	vadd.s32 $0x1400, v6;
	v51 =	vld.idx.msk [tilespmem:v1+s10+$0x0], $0xffff;
	[tilespmem:s23+$0xFFFFFE30] =	vst v16;
	v16 =	vadd.s32 $0x1400, v3  }
0x1b1: {  	v10 =	vadd.s32 $0x1800, v7;
	v13 =	vadd.s32 $0x1800, v4;
	v53 =	vld.idx.msk [tilespmem:v8+s10+$0x0], $0xffff;
	[tilespmem:s23+$0xFFFFFE40] =	vst v20;
	v20 =	vadd.s32 $0x1400, v23  }
0x1b2: {  	v14 =	vadd.s32 $0x1800, v5;
	v11 =	vadd.s32 $0x1800, v2;
	v8 =	vadd.s32 $0x1800, v6;
	v54 =	vld.idx.msk [tilespmem:v9+s10+$0x0], $0xffff;
	[tilespmem:s23+$0xFFFFFE50] =	vst v40  }
0x1b3: {  	v4 =	vadd.s32 $0x1C00, v4;
	v9 =	vadd.s32 $0x1800, v23;
	v40 =	vld.idx.msk [tilespmem:v12+s10+$0x0], $0xffff;
	v12 =	vadd.s32 $0x1800, v3;
	[tilespmem:s23+$0xFFFFFE60] =	vst v45  }
0x1b4: {  	v7 =	vadd.s32 $0x1C00, v7;
	v5 =	vadd.s32 $0x1C00, v5;
	v2 =	vadd.s32 $0x1C00, v2;
	v30 =	vld.idx.msk [tilespmem:v30+s10+$0x0], $0xffff;
	[tilespmem:s23+$0xFFFFFEF0] =	vst v48  }
0x1b5: {  	v1 =	vadd.s32 $0x1C00, v23;
	v6 =	vadd.s32 $0x1C00, v6;
	v3 =	vadd.s32 $0x1C00, v3;
	[tilespmem:s23+$0xFFFFFE00] =	vst v49;
	v23 =	vld.idx.msk [tilespmem:v52+s10+$0x0], $0xffff  }
0x1b6: {  	v35 =	vld.idx.msk [tilespmem:v35+s10+$0x0], $0xffff;
	[tilespmem:s23+$0xFFFFFE90] =	vst v51  }
0x1b7: {  	v45 =	vadd.s32 $0xC00, v0;
	[tilespmem:s23+$0xFFFFFEA0] =	vst v53;
	v33 =	vld.idx.msk [tilespmem:v33+s10+$0x0], $0xffff  }
0x1b8: {  	v21 =	vld.idx.msk [tilespmem:v21+s10+$0x0], $0xffff;
	[tilespmem:s23+$0xFFFFFEB0] =	vst v54  }
0x1b9: {  	v24 =	vld.idx.msk [tilespmem:v24+s10+$0x0], $0xffff;
	[tilespmem:s23+$0xFFFFFEC0] =	vst v40  }
0x1ba: {  	v26 =	vld.idx.msk [tilespmem:v26+s10+$0x0], $0xffff;
	[tilespmem:s23+$0xFFFFFED0] =	vst v30  }
0x1bb: {  	v28 =	vld.idx.msk [tilespmem:v28+s10+$0x0], $0xffff;
	[tilespmem:s23+$0xFFFFFF70] =	vst v23  }
0x1bc: {  	[tilespmem:s23+$0xFFFFFE80] =	vst v35;
	v23 =	vld.idx.msk [tilespmem:v45+s10+$0x0], $0xffff  }
0x1bd: {  	v30 =	vld.idx.msk [tilespmem:v36+s10+$0x0], $0xffff;
	[tilespmem:s23+$0xFFFFFEE0] =	vst v33  }
0x1be: {  	[tilespmem:s23+$0xFFFFFF10] =	vst v21;
	v21 =	vld.idx.msk [tilespmem:v31+s10+$0x0], $0xffff;
	v31 =	vadd.s32 $0x1000, v0  }
0x1bf: {  	[tilespmem:s23+$0xFFFFFF20] =	vst v24;
	v24 =	vld.idx.msk [tilespmem:v34+s10+$0x0], $0xffff  }
0x1c0: {  	v22 =	vld.idx.msk [tilespmem:v22+s10+$0x0], $0xffff;
	[tilespmem:s23+$0xFFFFFF30] =	vst v26  }
0x1c1: {  	v25 =	vld.idx.msk [tilespmem:v25+s10+$0x0], $0xffff;
	[tilespmem:s23+$0xFFFFFF40] =	vst v28  }
0x1c2: {  	v26 =	vld.idx.msk [tilespmem:v27+s10+$0x0], $0xffff;
	[tilespmem:s23+$0xFFFFFFF0] =	vst v23  }
0x1c3: {  	[tilespmem:s23+$0xFFFFFF00] =	vst v30;
	v23 =	vld.idx.msk [tilespmem:v31+s10+$0x0], $0xffff  }
0x1c4: {  	v27 =	vld.idx.msk [tilespmem:v37+s10+$0x0], $0xffff;
	[tilespmem:s23+$0xFFFFFF50] =	vst v21  }
0x1c5: {  	v21 =	vld.idx.msk [tilespmem:v29+s10+$0x0], $0xffff;
	[tilespmem:s23+$0xFFFFFF60] =	vst v24;
	v24 =	vadd.s32 $0x1400, v0  }
0x1c6: {  	[tilespmem:s23+$0xFFFFFF90] =	vst v22;
	v22 =	vld.idx.msk [tilespmem:v32+s10+$0x0], $0xffff  }
0x1c7: {  	[tilespmem:s23+$0xFFFFFFA0] =	vst v25;
	v25 =	vld.idx.msk [tilespmem:v41+s10+$0x0], $0xffff  }
0x1c8: {  	v28 =	vld.idx.msk [tilespmem:v39+s10+$0x0], $0xffff;
	[tilespmem:s23+$0xFFFFFFB0] =	vst v26  }
0x1c9: {  	v26 =	vld.idx.msk [tilespmem:v42+s10+$0x0], $0xffff;
	[tilespmem:s23+$0x70] =	vst v23  }
0x1ca: {  	[tilespmem:s23+$0xFFFFFF80] =	vst v27;
	v23 =	vld.idx.msk [tilespmem:v24+s10+$0x0], $0xffff  }
0x1cb: {  	v24 =	vld.idx.msk [tilespmem:v38+s10+$0x0], $0xffff;
	[tilespmem:s23+$0xFFFFFFC0] =	vst v21  }
0x1cc: {  	v21 =	vld.idx.msk [tilespmem:v43+s10+$0x0], $0xffff;
	[tilespmem:s23+$0xFFFFFFD0] =	vst v22;
	v22 =	vadd.s32 $0x1800, v0  }
0x1cd: {  	v27 =	vld.idx.msk [tilespmem:v44+s10+$0x0], $0xffff;
	[tilespmem:s23+$0xFFFFFFE0] =	vst v25  }
0x1ce: {  	[tilespmem:s23+$0x10] =	vst v28;
	v25 =	vld.idx.msk [tilespmem:v46+s10+$0x0], $0xffff  }
0x1cf: {  	[tilespmem:s23+$0x20] =	vst v26;
	v26 =	vld.idx.msk [tilespmem:v47+s10+$0x0], $0xffff  }
0x1d0: {  	v28 =	vld.idx.msk [tilespmem:v50+s10+$0x0], $0xffff;
	[tilespmem:s23+$0xF0] =	vst v23  }
0x1d1: {  	[tilespmem:s23+$0x0] =	vst v24;
	v22 =	vld.idx.msk [tilespmem:v22+s10+$0x0], $0xffff  }
0x1d2: {  	v15 =	vld.idx.msk [tilespmem:v15+s10+$0x0], $0xffff;
	[tilespmem:s23+$0x30] =	vst v21  }
0x1d3: {  	v0 =	vadd.s32 $0x1C00, v0;
	v19 =	vld.idx.msk [tilespmem:v19+s10+$0x0], $0xffff;
	[tilespmem:s23+$0x40] =	vst v27  }
0x1d4: {  	v17 =	vld.idx.msk [tilespmem:v17+s10+$0x0], $0xffff;
	[tilespmem:s23+$0x50] =	vst v25  }
0x1d5: {  	v18 =	vld.idx.msk [tilespmem:v18+s10+$0x0], $0xffff;
	[tilespmem:s23+$0x60] =	vst v26  }
0x1d6: {  	[tilespmem:s23+$0x90] =	vst v28;
	v16 =	vld.idx.msk [tilespmem:v16+s10+$0x0], $0xffff  }
0x1d7: {  	v20 =	vld.idx.msk [tilespmem:v20+s10+$0x0], $0xffff;
	[tilespmem:s23+$0x170] =	vst v22  }
0x1d8: {  	[tilespmem:s23+$0x80] =	vst v15;
	v0 =	vld.idx.msk [tilespmem:v0+s10+$0x0], $0xffff  }
0x1d9: {  	v13 =	vld.idx.msk [tilespmem:v13+s10+$0x0], $0xffff;
	[tilespmem:s23+$0xA0] =	vst v19  }
0x1da: {  	v10 =	vld.idx.msk [tilespmem:v10+s10+$0x0], $0xffff;
	[tilespmem:s23+$0xB0] =	vst v17  }
0x1db: {  	v14 =	vld.idx.msk [tilespmem:v14+s10+$0x0], $0xffff;
	[tilespmem:s23+$0xC0] =	vst v18  }
0x1dc: {  	v11 =	vld.idx.msk [tilespmem:v11+s10+$0x0], $0xffff;
	[tilespmem:s23+$0xD0] =	vst v16  }
0x1dd: {  	v8 =	vld.idx.msk [tilespmem:v8+s10+$0x0], $0xffff;
	[tilespmem:s23+$0xE0] =	vst v20  }
0x1de: {  	v12 =	vld.idx.msk [tilespmem:v12+s10+$0x0], $0xffff;
	[tilespmem:s23+$0x1F0] =	vst v0  }
0x1df: {  	[tilespmem:s23+$0x100] =	vst v13;
	v0 =	vld.idx.msk [tilespmem:v9+s10+$0x0], $0xffff  }
0x1e0: {  	v9 =	vld.idx.msk [tilespmem:v4+s10+$0x0], $0xffff;
	[tilespmem:s23+$0x110] =	vst v10  }
0x1e1: {  	v4 =	vld.idx.msk [tilespmem:v7+s10+$0x0], $0xffff;
	[tilespmem:s23+$0x120] =	vst v14  }
.Ltmp7:
0x1e2: {  	v5 =	vld.idx.msk [tilespmem:v5+s10+$0x0], $0xffff;
	[tilespmem:s23+$0x130] =	vst v11;
	(pc) =	sbr.rel @p0 .LBB2_9-.Ltmp7, $4  }
0x1e3: {  	v2 =	vld.idx.msk [tilespmem:v2+s10+$0x0], $0xffff;
	[tilespmem:s23+$0x140] =	vst v8  }
0x1e4: {  	v6 =	vld.idx.msk [tilespmem:v6+s10+$0x0], $0xffff;
	[tilespmem:s23+$0x150] =	vst v12  }
0x1e5: {  	v3 =	vld.idx.msk [tilespmem:v3+s10+$0x0], $0xffff;
	[tilespmem:s23+$0x160] =	vst v0  }
0x1e6: {  	s26 =	sadd.s32 $0x400, s26;
	[tilespmem:s23+$0x180] =	vst v9;
	v1 =	vld.idx.msk [tilespmem:v1+s10+$0x0], $0xffff  }
0x1e7: {  	[tilespmem:s23+$0x190] =	vst v4  }
0x1e8: {  	[tilespmem:s23+$0x1A0] =	vst v5  }
0x1e9: {  	[tilespmem:s23+$0x1B0] =	vst v2  }
0x1ea: {  	[tilespmem:s23+$0x1C0] =	vst v6  }
0x1eb: {  	[tilespmem:s23+$0x1D0] =	vst v3  }
0x1ec: {  	[tilespmem:s23+$0x1E0] =	vst v1  }
0x1ed: {  	[hbm4b:s24+s3] =	stream.linear.scatter [tilespmem:s11], [sflag:$0x1], $0x2000, $0x38;
	[tilespmem:$0x14000] =	vst v63  }
0x1ee: {  	_ =	swait.ge [sflag:s14], $0x2000  }
0x1ef: {  	[sflag:s14] =	ssyncset.done $0x0  }
0x1f0: {  	[sflag:s14] =	ssyncadd.s32 $0xFFFFE000  }
0x1f1: {  	v7 =	vld [tilespmem:s22+$0x0]  }
0x1f2: {  	v5 =	vld [tilespmem:s22+$0xFFFFFFA0]  }
0x1f3: {  	v4 =	vld [tilespmem:s22+$0xFFFFFFB0]  }
0x1f4: {  	v3 =	vld [tilespmem:s22+$0xFFFFFFC0]  }
0x1f5: {  	v2 =	vld [tilespmem:s22+$0xFFFFFFD0]  }
0x1f6: {  	v1 =	vld [tilespmem:s22+$0xFFFFFFE0]  }
0x1f7: {  	v0 =	vld [tilespmem:s22+$0xFFFFFFF0]  }
0x1f8: {  	v6 =	vld [tilespmem:s22+$0xFFFFFF90]  }
0x1f9: {  	v8 =	vld.idx.msk [tilespmem:v7+s10+$0x0], $0xffff  }
0x1fa: {  	v9 =	vld.idx.msk [tilespmem:v5+s10+$0x0], $0xffff  }
0x1fb: {  	v10 =	vld.idx.msk [tilespmem:v4+s10+$0x0], $0xffff  }
0x1fc: {  	v11 =	vadd.s32 $0x400, v7;
	v12 =	vld.idx.msk [tilespmem:v3+s10+$0x0], $0xffff  }
0x1fd: {  	v13 =	vadd.s32 $0x400, v5;
	v14 =	vld.idx.msk [tilespmem:v2+s10+$0x0], $0xffff  }
0x1fe: {  	s23 =	simm.s32 $0x12200;
	v15 =	vadd.s32 $0x400, v4;
	v16 =	vld.idx.msk [tilespmem:v1+s10+$0x0], $0xffff  }
0x1ff: {  	v17 =	vadd.s32 $0x400, v3;
	v18 =	vld.idx.msk [tilespmem:v0+s10+$0x0], $0xffff;
	[tilespmem:s23+$0xFFFFFE70] =	vst v8  }
0x200: {  	v55 =	vadd.s32 $0x400, v1;
	v19 =	vld.idx.msk [tilespmem:v6+s10+$0x0], $0xffff;
	[tilespmem:s23+$0xFFFFFE10] =	vst v9  }
0x201: {  	v58 =	vadd.s32 $0x400, v6;
	[tilespmem:s23+$0xFFFFFE20] =	vst v10;
	v54 =	vld.idx.msk [tilespmem:v11+s10+$0x0], $0xffff  }
0x202: {  	v59 =	vadd.s32 $0x400, v0;
	[tilespmem:s23+$0xFFFFFE30] =	vst v12;
	v56 =	vld.idx.msk [tilespmem:v13+s10+$0x0], $0xffff  }
0x203: {  	v8 =	vadd.s32 $0x400, v2;
	[tilespmem:s23+$0xFFFFFE40] =	vst v14;
	v15 =	vld.idx.msk [tilespmem:v15+s10+$0x0], $0xffff  }
0x204: {  	v57 =	vadd.s32 $0x800, v7;
	[tilespmem:s23+$0xFFFFFE50] =	vst v16;
	v17 =	vld.idx.msk [tilespmem:v17+s10+$0x0], $0xffff  }
0x205: {  	v60 =	vadd.s32 $0x800, v5;
	[tilespmem:s23+$0xFFFFFE00] =	vst v19;
	v11 =	vld.idx.msk [tilespmem:v55+s10+$0x0], $0xffff  }
0x206: {  	v61 =	vadd.s32 $0x800, v4;
	[tilespmem:s23+$0xFFFFFE60] =	vst v18;
	v13 =	vld.idx.msk [tilespmem:v58+s10+$0x0], $0xffff  }
0x207: {  	v62 =	vadd.s32 $0x800, v3;
	v21 =	vld.idx.msk [tilespmem:v59+s10+$0x0], $0xffff;
	[tilespmem:s23+$0xFFFFFEF0] =	vst v54  }
0x208: {  	v23 =	vadd.s32 $0x800, v6;
	v8 =	vld.idx.msk [tilespmem:v8+s10+$0x0], $0xffff;
	[tilespmem:s23+$0xFFFFFE90] =	vst v56  }
0x209: {  	v24 =	vadd.s32 $0x800, v1;
	[tilespmem:s23+$0xFFFFFEA0] =	vst v15;
	v12 =	vld.idx.msk [tilespmem:v57+s10+$0x0], $0xffff  }
0x20a: {  	v63 =	vadd.s32 $0x800, v2;
	[tilespmem:s23+$0xFFFFFEB0] =	vst v17;
	v16 =	vld.idx.msk [tilespmem:v60+s10+$0x0], $0xffff  }
0x20b: {  	v22 =	vadd.s32 $0xC00, v7;
	[tilespmem:s23+$0xFFFFFED0] =	vst v11;
	v18 =	vld.idx.msk [tilespmem:v61+s10+$0x0], $0xffff  }
0x20c: {  	v25 =	vadd.s32 $0xC00, v5;
	[tilespmem:s23+$0xFFFFFE80] =	vst v13;
	v9 =	vld.idx.msk [tilespmem:v62+s10+$0x0], $0xffff  }
0x20d: {  	v26 =	vadd.s32 $0xC00, v4;
	[tilespmem:s23+$0xFFFFFEE0] =	vst v21;
	v15 =	vld.idx.msk [tilespmem:v23+s10+$0x0], $0xffff  }
0x20e: {  	v28 =	vadd.s32 $0xC00, v3;
	v29 =	vld.idx.msk [tilespmem:v24+s10+$0x0], $0xffff;
	[tilespmem:s23+$0xFFFFFEC0] =	vst v8  }
0x20f: {  	v31 =	vadd.s32 $0xC00, v6;
	v19 =	vld.idx.msk [tilespmem:v63+s10+$0x0], $0xffff;
	[tilespmem:s23+$0xFFFFFF70] =	vst v12  }
0x210: {  	v33 =	vadd.s32 $0xC00, v1;
	[tilespmem:s23+$0xFFFFFF10] =	vst v16;
	v27 =	vld.idx.msk [tilespmem:v22+s10+$0x0], $0xffff  }
0x211: {  	v8 =	vadd.s32 $0x800, v0;
	[tilespmem:s23+$0xFFFFFF20] =	vst v18;
	v11 =	vld.idx.msk [tilespmem:v25+s10+$0x0], $0xffff  }
0x212: {  	v32 =	vadd.s32 $0xC00, v2;
	[tilespmem:s23+$0xFFFFFF30] =	vst v9;
	v12 =	vld.idx.msk [tilespmem:v26+s10+$0x0], $0xffff  }
0x213: {  	v30 =	vadd.s32 $0x1000, v7;
	[tilespmem:s23+$0xFFFFFF00] =	vst v15;
	v14 =	vld.idx.msk [tilespmem:v28+s10+$0x0], $0xffff  }
0x214: {  	v35 =	vadd.s32 $0x1000, v5;
	[tilespmem:s23+$0xFFFFFF50] =	vst v29;
	v17 =	vld.idx.msk [tilespmem:v31+s10+$0x0], $0xffff  }
0x215: {  	v37 =	vadd.s32 $0x1000, v4;
	v9 =	vld.idx.msk [tilespmem:v33+s10+$0x0], $0xffff;
	[tilespmem:s23+$0xFFFFFF40] =	vst v19  }
0x216: {  	v39 =	vadd.s32 $0x1000, v6;
	v8 =	vld.idx.msk [tilespmem:v8+s10+$0x0], $0xffff;
	[tilespmem:s23+$0xFFFFFFF0] =	vst v27  }
0x217: {  	v40 =	vadd.s32 $0x1000, v3;
	v38 =	vld.idx.msk [tilespmem:v32+s10+$0x0], $0xffff;
	[tilespmem:s23+$0xFFFFFF90] =	vst v11  }
0x218: {  	v43 =	vadd.s32 $0x1000, v1;
	[tilespmem:s23+$0xFFFFFFA0] =	vst v12;
	v36 =	vld.idx.msk [tilespmem:v30+s10+$0x0], $0xffff  }
0x219: {  	v34 =	vadd.s32 $0xC00, v0;
	[tilespmem:s23+$0xFFFFFFB0] =	vst v14;
	v13 =	vld.idx.msk [tilespmem:v35+s10+$0x0], $0xffff  }
0x21a: {  	v42 =	vadd.s32 $0x1000, v2;
	[tilespmem:s23+$0xFFFFFF80] =	vst v17;
	v16 =	vld.idx.msk [tilespmem:v37+s10+$0x0], $0xffff  }
0x21b: {  	v18 =	vld.idx.msk [tilespmem:v39+s10+$0x0], $0xffff;
	[tilespmem:s23+$0xFFFFFF60] =	vst v8;
	v8 =	vadd.s32 $0x1400, v7  }
0x21c: {  	v45 =	vadd.s32 $0x1400, v5;
	[tilespmem:s23+$0xFFFFFFD0] =	vst v9;
	v46 =	vld.idx.msk [tilespmem:v40+s10+$0x0], $0xffff  }
0x21d: {  	v48 =	vadd.s32 $0x1400, v6;
	v50 =	vld.idx.msk [tilespmem:v43+s10+$0x0], $0xffff;
	[tilespmem:s23+$0xFFFFFFC0] =	vst v38  }
0x21e: {  	v49 =	vadd.s32 $0x1400, v4;
	v41 =	vld.idx.msk [tilespmem:v34+s10+$0x0], $0xffff;
	[tilespmem:s23+$0x70] =	vst v36  }
0x21f: {  	v44 =	vadd.s32 $0x1000, v0;
	v19 =	vld.idx.msk [tilespmem:v42+s10+$0x0], $0xffff;
	[tilespmem:s23+$0x10] =	vst v13  }
0x220: {  	v51 =	vadd.s32 $0x1400, v3;
	[tilespmem:s23+$0x20] =	vst v16;
	v8 =	vld.idx.msk [tilespmem:v8+s10+$0x0], $0xffff  }
0x221: {  	v47 =	vadd.s32 $0x1800, v7;
	[tilespmem:s23+$0x0] =	vst v18;
	v17 =	vld.idx.msk [tilespmem:v45+s10+$0x0], $0xffff  }
0x222: {  	v52 =	vadd.s32 $0x1400, v2;
	[tilespmem:s23+$0x30] =	vst v46;
	v11 =	vld.idx.msk [tilespmem:v48+s10+$0x0], $0xffff  }
0x223: {  	v55 =	vadd.s32 $0x1800, v6;
	v54 =	vld.idx.msk [tilespmem:v49+s10+$0x0], $0xffff;
	[tilespmem:s23+$0xFFFFFFE0] =	vst v41  }
0x224: {  	v56 =	vadd.s32 $0x1800, v5;
	[tilespmem:s23+$0x50] =	vst v50;
	v15 =	vld.idx.msk [tilespmem:v44+s10+$0x0], $0xffff  }
0x225: {  	v53 =	vadd.s32 $0x1400, v0;
	v14 =	vld.idx.msk [tilespmem:v51+s10+$0x0], $0xffff;
	[tilespmem:s23+$0xF0] =	vst v8  }
0x226: {  	[tilespmem:s23+$0x40] =	vst v19;
	v8 =	vadd.s32 $0x1400, v1;
	v9 =	vld.idx.msk [tilespmem:v47+s10+$0x0], $0xffff  }
0x227: {  	v7 =	vadd.s32 $0x1C00, v7;
	v16 =	vld.idx.msk [tilespmem:v52+s10+$0x0], $0xffff;
	[tilespmem:s23+$0x80] =	vst v11  }
0x228: {  	v57 =	vadd.s32 $0x1800, v4;
	[tilespmem:s23+$0x90] =	vst v17;
	v12 =	vld.idx.msk [tilespmem:v55+s10+$0x0], $0xffff  }
0x229: {  	v58 =	vadd.s32 $0x1800, v3;
	v13 =	vld.idx.msk [tilespmem:v56+s10+$0x0], $0xffff;
	[tilespmem:s23+$0x60] =	vst v15  }
0x22a: {  	v59 =	vadd.s32 $0x1800, v2;
	[tilespmem:s23+$0xA0] =	vst v54;
	v18 =	vld.idx.msk [tilespmem:v53+s10+$0x0], $0xffff  }
0x22b: {  	v6 =	vadd.s32 $0x1C00, v6;
	v8 =	vld.idx.msk [tilespmem:v8+s10+$0x0], $0xffff;
	[tilespmem:s23+$0x170] =	vst v9  }
0x22c: {  	v60 =	vadd.s32 $0x1800, v1;
	[tilespmem:s23+$0xB0] =	vst v14;
	v7 =	vld.idx.msk [tilespmem:v7+s10+$0x0], $0xffff  }
0x22d: {  	v61 =	vadd.s32 $0x1800, v0;
	v62 =	vld.idx.msk [tilespmem:v57+s10+$0x0], $0xffff;
	[tilespmem:s23+$0xC0] =	vst v16  }
0x22e: {  	v5 =	vadd.s32 $0x1C00, v5;
	v63 =	vld.idx.msk [tilespmem:v58+s10+$0x0], $0xffff;
	[tilespmem:s23+$0x100] =	vst v12  }
0x22f: {  	v3 =	vadd.s32 $0x1C00, v3;
	v9 =	vld.idx.msk [tilespmem:v59+s10+$0x0], $0xffff;
	[tilespmem:s23+$0xE0] =	vst v18  }
0x230: {  	v12 =	vld.idx.msk [tilespmem:v6+s10+$0x0], $0xffff;
	[tilespmem:s23+$0xD0] =	vst v8;
	v8 =	vadd.s32 $0x1C00, v4  }
0x231: {  	v11 =	vld.idx.msk [tilespmem:v60+s10+$0x0], $0xffff;
	[tilespmem:s23+$0x1F0] =	vst v7;
	v7 =	vadd.s32 $0x1C00, v2  }
0x232: {  	v1 =	vadd.s32 $0x1C00, v1;
	[tilespmem:s23+$0x110] =	vst v13;
	v10 =	vld.idx.msk [tilespmem:v61+s10+$0x0], $0xffff  }
0x233: {  	s31 =	sshllo.u32 s21, $0x1;
	v0 =	vadd.s32 $0x1C00, v0;
	[tilespmem:s23+$0x130] =	vst v63;
	v4 =	vld.idx.msk [tilespmem:v5+s10+$0x0], $0xffff  }
0x234: {  	s24 =	smul.u32 $0xFA000, s31;
	[tilespmem:s23+$0x120] =	vst v62;
	v2 =	vld.idx.msk [tilespmem:v3+s10+$0x0], $0xffff  }
0x235: {  	[tilespmem:s23+$0x140] =	vst v9;
	v5 =	vld.idx.msk [tilespmem:v8+s10+$0x0], $0xffff  }
0x236: {  	s24 =	sadd.s32 s17, s24;
	[tilespmem:s23+$0x150] =	vst v11;
	v6 =	vld.idx.msk [tilespmem:v7+s10+$0x0], $0xffff  }
0x237: {  	s24 =	sshrl.u32 s24, $0x3;
	[tilespmem:s23+$0x160] =	vst v10;
	v3 =	vld.idx.msk [tilespmem:v1+s10+$0x0], $0xffff  }
0x238: {  	s25 =	simm.s32 $0x0;
	s24 =	sadd.s32 s2, s24;
	s22 =	sadd.s32 $0x400, s22;
	[tilespmem:s23+$0x180] =	vst v12;
	v1 =	vld.idx.msk [tilespmem:v0+s10+$0x0], $0xffff  }
.LBB2_11:
0x239: {  	v0 =	vld [tilespmem:s22+$0x0];
	s25 =	sadd.s32 $0x8, s25;
	[tilespmem:s23+$0x190] =	vst v4  }
0x23a: {  	v7 =	vld [tilespmem:s22+$0xFFFFFFA0];
	p0 =	slt.u32 s25, $0x38;
	[tilespmem:s23+$0x1A0] =	vst v5  }
0x23b: {  	v5 =	vld [tilespmem:s22+$0xFFFFFFB0];
	[tilespmem:s23+$0x1B0] =	vst v2  }
0x23c: {  	v2 =	vld [tilespmem:s22+$0xFFFFFFC0];
	[tilespmem:s23+$0x1C0] =	vst v6  }
0x23d: {  	v6 =	vld [tilespmem:s22+$0xFFFFFFD0];
	[tilespmem:s23+$0x1D0] =	vst v3  }
0x23e: {  	v3 =	vld [tilespmem:s22+$0xFFFFFFE0];
	[tilespmem:s23+$0x1E0] =	vst v1  }
0x23f: {  	v1 =	vadd.s32 $0x400, v7;
	v21 =	vadd.s32 $0x800, v7;
	v22 =	vadd.s32 $0xC00, v7;
	v23 =	vld [tilespmem:s22+$0xFFFFFFF0]  }
0x240: {  	v4 =	vld [tilespmem:s22+$0xFFFFFF90];
	v8 =	vadd.s32 $0x400, v5;
	v24 =	vadd.s32 $0x800, v5;
	v25 =	vadd.s32 $0xC00, v5  }
0x241: {  	v9 =	vadd.s32 $0x400, v2;
	v26 =	vadd.s32 $0x800, v2;
	v27 =	vadd.s32 $0xC00, v2;
	v10 =	vld.idx.msk [tilespmem:v0+s10+$0x0], $0xffff  }
0x242: {  	v11 =	vld.idx.msk [tilespmem:v7+s10+$0x0], $0xffff;
	v12 =	vadd.s32 $0x400, v6;
	v28 =	vadd.s32 $0x800, v6;
	v29 =	vadd.s32 $0xC00, v6  }
0x243: {  	v14 =	vadd.s32 $0x400, v0;
	v13 =	vld.idx.msk [tilespmem:v5+s10+$0x0], $0xffff;
	v30 =	vadd.s32 $0x400, v3;
	v31 =	vadd.s32 $0x800, v3  }
0x244: {  	v32 =	vadd.s32 $0xC00, v3;
	v16 =	vld.idx.msk [tilespmem:v2+s10+$0x0], $0xffff;
	v33 =	vadd.s32 $0x400, v23;
	v34 =	vadd.s32 $0x800, v23  }
0x245: {  	v35 =	vadd.s32 $0x400, v4;
	v36 =	vadd.s32 $0x800, v4;
	v37 =	vadd.s32 $0xC00, v4;
	v20 =	vld.idx.msk [tilespmem:v6+s10+$0x0], $0xffff  }
0x246: {  	s23 =	sadd.s32 $0x400, s23;
	v39 =	vadd.s32 $0x1000, v7;
	v41 =	vadd.s32 $0xC00, v23;
	v38 =	vadd.s32 $0x1000, v4;
	v40 =	vld.idx.msk [tilespmem:v3+s10+$0x0], $0xffff  }
0x247: {  	v42 =	vadd.s32 $0x1000, v5;
	v43 =	vadd.s32 $0x1000, v2;
	v44 =	vadd.s32 $0x1000, v6;
	v45 =	vld.idx.msk [tilespmem:v23+s10+$0x0], $0xffff;
	[tilespmem:s23+$0xFFFFFE70] =	vst v10  }
0x248: {  	v46 =	vadd.s32 $0x1000, v3;
	v47 =	vadd.s32 $0x1000, v23;
	v15 =	vadd.s32 $0x1400, v4;
	[tilespmem:s23+$0xFFFFFE10] =	vst v11;
	v48 =	vld.idx.msk [tilespmem:v14+s10+$0x0], $0xffff  }
0x249: {  	v50 =	vadd.s32 $0x1400, v7;
	v19 =	vadd.s32 $0x1400, v5;
	v17 =	vadd.s32 $0x1400, v2;
	v49 =	vld.idx.msk [tilespmem:v4+s10+$0x0], $0xffff;
	[tilespmem:s23+$0xFFFFFE20] =	vst v13  }
0x24a: {  	v52 =	vadd.s32 $0x800, v0;
	v18 =	vadd.s32 $0x1400, v6;
	v51 =	vld.idx.msk [tilespmem:v1+s10+$0x0], $0xffff;
	[tilespmem:s23+$0xFFFFFE30] =	vst v16;
	v16 =	vadd.s32 $0x1400, v3  }
0x24b: {  	v10 =	vadd.s32 $0x1800, v7;
	v13 =	vadd.s32 $0x1800, v4;
	v53 =	vld.idx.msk [tilespmem:v8+s10+$0x0], $0xffff;
	[tilespmem:s23+$0xFFFFFE40] =	vst v20;
	v20 =	vadd.s32 $0x1400, v23  }
0x24c: {  	v14 =	vadd.s32 $0x1800, v5;
	v11 =	vadd.s32 $0x1800, v2;
	v8 =	vadd.s32 $0x1800, v6;
	v54 =	vld.idx.msk [tilespmem:v9+s10+$0x0], $0xffff;
	[tilespmem:s23+$0xFFFFFE50] =	vst v40  }
0x24d: {  	v4 =	vadd.s32 $0x1C00, v4;
	v9 =	vadd.s32 $0x1800, v23;
	v40 =	vld.idx.msk [tilespmem:v12+s10+$0x0], $0xffff;
	v12 =	vadd.s32 $0x1800, v3;
	[tilespmem:s23+$0xFFFFFE60] =	vst v45  }
0x24e: {  	v7 =	vadd.s32 $0x1C00, v7;
	v5 =	vadd.s32 $0x1C00, v5;
	v2 =	vadd.s32 $0x1C00, v2;
	v30 =	vld.idx.msk [tilespmem:v30+s10+$0x0], $0xffff;
	[tilespmem:s23+$0xFFFFFEF0] =	vst v48  }
0x24f: {  	v1 =	vadd.s32 $0x1C00, v23;
	v6 =	vadd.s32 $0x1C00, v6;
	v3 =	vadd.s32 $0x1C00, v3;
	[tilespmem:s23+$0xFFFFFE00] =	vst v49;
	v23 =	vld.idx.msk [tilespmem:v52+s10+$0x0], $0xffff  }
0x250: {  	v35 =	vld.idx.msk [tilespmem:v35+s10+$0x0], $0xffff;
	[tilespmem:s23+$0xFFFFFE90] =	vst v51  }
0x251: {  	v45 =	vadd.s32 $0xC00, v0;
	[tilespmem:s23+$0xFFFFFEA0] =	vst v53;
	v33 =	vld.idx.msk [tilespmem:v33+s10+$0x0], $0xffff  }
0x252: {  	v21 =	vld.idx.msk [tilespmem:v21+s10+$0x0], $0xffff;
	[tilespmem:s23+$0xFFFFFEB0] =	vst v54  }
0x253: {  	v24 =	vld.idx.msk [tilespmem:v24+s10+$0x0], $0xffff;
	[tilespmem:s23+$0xFFFFFEC0] =	vst v40  }
0x254: {  	v26 =	vld.idx.msk [tilespmem:v26+s10+$0x0], $0xffff;
	[tilespmem:s23+$0xFFFFFED0] =	vst v30  }
0x255: {  	v28 =	vld.idx.msk [tilespmem:v28+s10+$0x0], $0xffff;
	[tilespmem:s23+$0xFFFFFF70] =	vst v23  }
0x256: {  	[tilespmem:s23+$0xFFFFFE80] =	vst v35;
	v23 =	vld.idx.msk [tilespmem:v45+s10+$0x0], $0xffff  }
0x257: {  	v30 =	vld.idx.msk [tilespmem:v36+s10+$0x0], $0xffff;
	[tilespmem:s23+$0xFFFFFEE0] =	vst v33  }
0x258: {  	[tilespmem:s23+$0xFFFFFF10] =	vst v21;
	v21 =	vld.idx.msk [tilespmem:v31+s10+$0x0], $0xffff;
	v31 =	vadd.s32 $0x1000, v0  }
0x259: {  	[tilespmem:s23+$0xFFFFFF20] =	vst v24;
	v24 =	vld.idx.msk [tilespmem:v34+s10+$0x0], $0xffff  }
0x25a: {  	v22 =	vld.idx.msk [tilespmem:v22+s10+$0x0], $0xffff;
	[tilespmem:s23+$0xFFFFFF30] =	vst v26  }
0x25b: {  	v25 =	vld.idx.msk [tilespmem:v25+s10+$0x0], $0xffff;
	[tilespmem:s23+$0xFFFFFF40] =	vst v28  }
0x25c: {  	v26 =	vld.idx.msk [tilespmem:v27+s10+$0x0], $0xffff;
	[tilespmem:s23+$0xFFFFFFF0] =	vst v23  }
0x25d: {  	[tilespmem:s23+$0xFFFFFF00] =	vst v30;
	v23 =	vld.idx.msk [tilespmem:v31+s10+$0x0], $0xffff  }
0x25e: {  	v27 =	vld.idx.msk [tilespmem:v37+s10+$0x0], $0xffff;
	[tilespmem:s23+$0xFFFFFF50] =	vst v21  }
0x25f: {  	v21 =	vld.idx.msk [tilespmem:v29+s10+$0x0], $0xffff;
	[tilespmem:s23+$0xFFFFFF60] =	vst v24;
	v24 =	vadd.s32 $0x1400, v0  }
0x260: {  	[tilespmem:s23+$0xFFFFFF90] =	vst v22;
	v22 =	vld.idx.msk [tilespmem:v32+s10+$0x0], $0xffff  }
0x261: {  	[tilespmem:s23+$0xFFFFFFA0] =	vst v25;
	v25 =	vld.idx.msk [tilespmem:v41+s10+$0x0], $0xffff  }
0x262: {  	v28 =	vld.idx.msk [tilespmem:v39+s10+$0x0], $0xffff;
	[tilespmem:s23+$0xFFFFFFB0] =	vst v26  }
0x263: {  	v26 =	vld.idx.msk [tilespmem:v42+s10+$0x0], $0xffff;
	[tilespmem:s23+$0x70] =	vst v23  }
0x264: {  	[tilespmem:s23+$0xFFFFFF80] =	vst v27;
	v23 =	vld.idx.msk [tilespmem:v24+s10+$0x0], $0xffff  }
0x265: {  	v24 =	vld.idx.msk [tilespmem:v38+s10+$0x0], $0xffff;
	[tilespmem:s23+$0xFFFFFFC0] =	vst v21  }
0x266: {  	v21 =	vld.idx.msk [tilespmem:v43+s10+$0x0], $0xffff;
	[tilespmem:s23+$0xFFFFFFD0] =	vst v22;
	v22 =	vadd.s32 $0x1800, v0  }
0x267: {  	v27 =	vld.idx.msk [tilespmem:v44+s10+$0x0], $0xffff;
	[tilespmem:s23+$0xFFFFFFE0] =	vst v25  }
0x268: {  	[tilespmem:s23+$0x10] =	vst v28;
	v25 =	vld.idx.msk [tilespmem:v46+s10+$0x0], $0xffff  }
0x269: {  	[tilespmem:s23+$0x20] =	vst v26;
	v26 =	vld.idx.msk [tilespmem:v47+s10+$0x0], $0xffff  }
0x26a: {  	v28 =	vld.idx.msk [tilespmem:v50+s10+$0x0], $0xffff;
	[tilespmem:s23+$0xF0] =	vst v23  }
0x26b: {  	[tilespmem:s23+$0x0] =	vst v24;
	v22 =	vld.idx.msk [tilespmem:v22+s10+$0x0], $0xffff  }
0x26c: {  	v15 =	vld.idx.msk [tilespmem:v15+s10+$0x0], $0xffff;
	[tilespmem:s23+$0x30] =	vst v21  }
0x26d: {  	v0 =	vadd.s32 $0x1C00, v0;
	v19 =	vld.idx.msk [tilespmem:v19+s10+$0x0], $0xffff;
	[tilespmem:s23+$0x40] =	vst v27  }
0x26e: {  	v17 =	vld.idx.msk [tilespmem:v17+s10+$0x0], $0xffff;
	[tilespmem:s23+$0x50] =	vst v25  }
0x26f: {  	v18 =	vld.idx.msk [tilespmem:v18+s10+$0x0], $0xffff;
	[tilespmem:s23+$0x60] =	vst v26  }
0x270: {  	[tilespmem:s23+$0x90] =	vst v28;
	v16 =	vld.idx.msk [tilespmem:v16+s10+$0x0], $0xffff  }
0x271: {  	v20 =	vld.idx.msk [tilespmem:v20+s10+$0x0], $0xffff;
	[tilespmem:s23+$0x170] =	vst v22  }
0x272: {  	[tilespmem:s23+$0x80] =	vst v15;
	v0 =	vld.idx.msk [tilespmem:v0+s10+$0x0], $0xffff  }
0x273: {  	v13 =	vld.idx.msk [tilespmem:v13+s10+$0x0], $0xffff;
	[tilespmem:s23+$0xA0] =	vst v19  }
0x274: {  	v10 =	vld.idx.msk [tilespmem:v10+s10+$0x0], $0xffff;
	[tilespmem:s23+$0xB0] =	vst v17  }
0x275: {  	v14 =	vld.idx.msk [tilespmem:v14+s10+$0x0], $0xffff;
	[tilespmem:s23+$0xC0] =	vst v18  }
0x276: {  	v11 =	vld.idx.msk [tilespmem:v11+s10+$0x0], $0xffff;
	[tilespmem:s23+$0xD0] =	vst v16  }
0x277: {  	v8 =	vld.idx.msk [tilespmem:v8+s10+$0x0], $0xffff;
	[tilespmem:s23+$0xE0] =	vst v20  }
0x278: {  	v12 =	vld.idx.msk [tilespmem:v12+s10+$0x0], $0xffff;
	[tilespmem:s23+$0x1F0] =	vst v0  }
0x279: {  	[tilespmem:s23+$0x100] =	vst v13;
	v0 =	vld.idx.msk [tilespmem:v9+s10+$0x0], $0xffff  }
0x27a: {  	v9 =	vld.idx.msk [tilespmem:v4+s10+$0x0], $0xffff;
	[tilespmem:s23+$0x110] =	vst v10  }
0x27b: {  	v4 =	vld.idx.msk [tilespmem:v7+s10+$0x0], $0xffff;
	[tilespmem:s23+$0x120] =	vst v14  }
.Ltmp8:
0x27c: {  	v5 =	vld.idx.msk [tilespmem:v5+s10+$0x0], $0xffff;
	[tilespmem:s23+$0x130] =	vst v11;
	(pc) =	sbr.rel @p0 .LBB2_11-.Ltmp8, $4  }
0x27d: {  	v2 =	vld.idx.msk [tilespmem:v2+s10+$0x0], $0xffff;
	[tilespmem:s23+$0x140] =	vst v8  }
0x27e: {  	v6 =	vld.idx.msk [tilespmem:v6+s10+$0x0], $0xffff;
	[tilespmem:s23+$0x150] =	vst v12  }
0x27f: {  	v3 =	vld.idx.msk [tilespmem:v3+s10+$0x0], $0xffff;
	[tilespmem:s23+$0x160] =	vst v0  }
0x280: {  	s22 =	sadd.s32 $0x400, s22;
	[tilespmem:s23+$0x180] =	vst v9;
	v1 =	vld.idx.msk [tilespmem:v1+s10+$0x0], $0xffff  }
0x281: {  	[tilespmem:s23+$0x190] =	vst v4;
	s21 =	sadd.s32 $0x1, s21  }
0x282: {  	[tilespmem:s23+$0x1A0] =	vst v5;
	p0 =	sne.s32 s21, $0x19  }
.Ltmp9:
0x283: {  	[tilespmem:s23+$0x1B0] =	vst v2;
	(pc) =	sbr.rel @p0 .LBB2_8-.Ltmp9, $4  }
0x284: {  	[tilespmem:s23+$0x1C0] =	vst v6  }
0x285: {  	[tilespmem:s23+$0x1D0] =	vst v3  }
0x286: {  	s19 =	sadd.s32 $0x800, s19;
	s18 =	sadd.s32 $0x1, s18;
	s20 =	sadd.s32 $0x2, s20;
	[tilespmem:s23+$0x1E0] =	vst v1  }
0x287: {  	[hbm4b:s24+s3] =	stream.linear.scatter [tilespmem:s12], [sflag:$0x2], $0x2000, $0x38;
	[tilespmem:$0x14000] =	vst v63  }
0x288: {  	_ =	swait.ge [sflag:s13], $0x2000  }
.Ltmp10:
0x289: {  	[sflag:s13] =	ssyncset.done $0x0;
	(pc) =	sbr.rel .LBB2_14-.Ltmp10, $4  }
0x28a: {  	[sflag:s13] =	ssyncadd.s32 $0xFFFFE000  }
0x28b: {  	_ =	swait.ge [sflag:s14], $0x2000  }
0x28c: {  	[sflag:s14] =	ssyncset.done $0x0  }
0x28d: {  	[sflag:s14] =	ssyncadd.s32 $0xFFFFE000  }
.LBB2_16:
0x28e: {  	_ =	sfence.sel $0x180000  }
0x28f: {  	[bflag:$0x0] =	sbarrier.arrive $0xFFFF  }
0x290: {  	p0 =	sne.s32 s5, $0x0;
	_ =	strace $0x90000047  }
0x291: {  	s0 =	sadd.s32 @!p0 $0x100000, s0;
	[bflag:$0x2] =	sbarrier.arrive $0xFFFF  }
0x292: {  	[sflag:s0] =	ssyncadd.tile.s32 @!p0 $0x1;
	_ =	shalt  }
.Lfunc_end2:
_tile_overlayer_lowered:
.L_overlay_start_2:
0x293: {  	(tag) =	ssettag $0x2  }
0x294: {  	s0 =	rddreg [dreg:$0x0];
	s2 =	stileid.u32  }
0x295: {  	s1 =	rddreg [dreg:$0x1];
	p0 =	sne.s32 s2, $0x0  }
0x296: {  	s3 =	rddreg [dreg:$0x2];
	[bflag:$0x3] =	sbarrier.arrive $0xFFFF;
	s2 =	simm.s32 @!p0 $0x1C03  }
0x297: {  	[timem:s3], [sflag:s2] =	dma.local @!p0 [hbm:s0], s1  }
0x298: {  	s0 =	simm.s32 @!p0 $0x3  }
0x299: {  	_ =	swait.ge @!p0 [sflag:s0], s1  }
0x29a: {  	s1 =	ssub.s32 @!p0 $0x0, s1;
	[sflag:s0] =	ssyncset.done @!p0 $0x0  }
0x29b: {  	[sflag:s0] =	ssyncadd.s32 @!p0 s1  }
0x29c: {  	[bflag:$0x3] =	sbarrier.arrive $0xFFFF  }
0x29d: {  	_ =	shalt  }

</sc_bundles>
